<compile_context>
chip_gen: v7x
topology: tpu7x:2x2x1
jax: 0.10.2.dev20260603
libtpu: 0.0.44.dev20260713+nightly
codegen_flags: <defaults>
</compile_context>

<pallas_src>
import functools

import jax
import jax.numpy as jnp
from jax import lax
from jax.experimental import pallas as pl
from jax.experimental.pallas import tpu as pltpu
from jax.experimental.pallas import tpu_sc as plsc

N = 10000
E = 320000
D = 128
BETA = 1.0

NC = 2
NS = 16
NW = NC * NS
EB = 128
NBATCH = 80
EPT = EB * NBATCH
E_PAD = EPT * NW
N_PAD = 10112
ZCH = N_PAD // EB
DCH = N_PAD // 128

BN = 1000
NBLK = N // BN


def _prep_body(x_ref, wm_ref, bm_ref, wr_ref, br_ref,
               m_ref, r_ref, s_ref, c_ref, mscr):
    i = pl.program_id(0)
    xb = x_ref[...]
    mb = jnp.dot(xb, wm_ref[...], preferred_element_type=jnp.float32) + bm_ref[...]
    rb = jnp.dot(xb, wr_ref[...], preferred_element_type=jnp.float32) + br_ref[...]
    sb = BETA * jnp.mean(mb, axis=1, keepdims=True)
    m_ref[...] = mb
    r_ref[...] = rb
    s_ref[...] = sb
    prev = jnp.where(i == 0, -jnp.inf, mscr[0, 0])
    mscr[0, 0] = jnp.maximum(prev, jnp.max(sb))
    c_ref[0, 0] = mscr[0, 0]


def _prep(x, wm, bm, wr, br):
    return pl.pallas_call(
        _prep_body,
        grid=(NBLK,),
        in_specs=[
            pl.BlockSpec((BN, D), lambda i: (i, 0)),
            pl.BlockSpec((D, D), lambda i: (0, 0)),
            pl.BlockSpec((1, D), lambda i: (0, 0)),
            pl.BlockSpec((D, D), lambda i: (0, 0)),
            pl.BlockSpec((1, D), lambda i: (0, 0)),
        ],
        out_specs=[
            pl.BlockSpec((BN, D), lambda i: (i, 0)),
            pl.BlockSpec((BN, D), lambda i: (i, 0)),
            pl.BlockSpec((BN, 1), lambda i: (i, 0)),
            pl.BlockSpec(memory_space=pltpu.SMEM),
        ],
        out_shape=[
            jax.ShapeDtypeStruct((N, D), jnp.float32),
            jax.ShapeDtypeStruct((N, D), jnp.float32),
            jax.ShapeDtypeStruct((N, 1), jnp.float32),
            jax.ShapeDtypeStruct((1, 1), jnp.float32),
        ],
        scratch_shapes=[pltpu.SMEM((1, 1), jnp.float32)],
    )(x, wm, bm, wr, br)


def _aug_body(m_ref, s_ref, c_ref, p_ref, e_ref):
    eb = jnp.exp(s_ref[...] - c_ref[0, 0])
    p_ref[...] = m_ref[...] * eb
    e_ref[...] = eb


def _aug(m, s, c):
    return pl.pallas_call(
        _aug_body,
        grid=(NBLK,),
        in_specs=[
            pl.BlockSpec((BN, D), lambda i: (i, 0)),
            pl.BlockSpec((BN, 1), lambda i: (i, 0)),
            pl.BlockSpec(memory_space=pltpu.SMEM),
        ],
        out_specs=[
            pl.BlockSpec((BN, D), lambda i: (i, 0)),
            pl.BlockSpec((BN, 1), lambda i: (i, 0)),
        ],
        out_shape=[
            jax.ShapeDtypeStruct((N, D), jnp.float32),
            jax.ShapeDtypeStruct((N, 1), jnp.float32),
        ],
    )(m, s, c)


def _edge_body(row_hbm, col_hbm, p_hbm, e_hbm, acc_out, den_out,
               row_v, col_v, vals_v, zval_v, rows0_v, evec_v,
               acc_sh, den_sh):
    c = lax.axis_index("c")
    s = lax.axis_index("s")
    wid = c * NS + s

    pltpu.sync_copy(e_hbm, evec_v)
    pltpu.sync_copy(row_hbm.at[wid], row_v)
    pltpu.sync_copy(col_hbm.at[wid], col_v)

    def _zrow(i, _):
        def _zlane(j, _):
            rows0_v[i, pl.ds(j * 16, 16)] = jnp.zeros((16,), jnp.float32)
            return None
        lax.fori_loop(0, D // 16, _zlane, None)
        return None
    lax.fori_loop(0, EB, _zrow, None)
    def _zval(j, _):
        zval_v[pl.ds(j * 16, 16)] = jnp.zeros((16,), jnp.float32)
        return None
    lax.fori_loop(0, 8, _zval, None)

    def _zacc(m, _):
        k = s + m * NS
        @pl.when(k < ZCH)
        def _():
            pltpu.sync_copy(rows0_v,
                            acc_sh.at[pl.ds(pl.multiple_of(k * EB, 8), EB)])
        @pl.when(k < DCH)
        def _():
            pltpu.sync_copy(zval_v,
                            den_sh.at[pl.ds(pl.multiple_of(k * 128, 128), 128)])
        return None
    lax.fori_loop(0, (ZCH + NS - 1) // NS, _zacc, None)

    plsc.subcore_barrier()

    def _den(j):
        def _dgrp(g, _):
            rvec = row_v[j, pl.ds(g * 16, 16)]
            vals_v[pl.ds(g * 16, 16)] = plsc.load_gather(evec_v, [rvec])
            return None
        lax.fori_loop(0, EB // 16, _dgrp, None)
        pltpu.sync_copy(vals_v, den_sh.at[col_v.at[j]], add=True)

    def _batch(j, _):
        pltpu.sync_copy(p_hbm.at[row_v.at[j]], rows0_v)
        pltpu.sync_copy(rows0_v, acc_sh.at[col_v.at[j]], add=True)
        _den(j)
        return None
    lax.fori_loop(0, NBATCH, _batch, None)

    plsc.subcore_barrier()

    def _wout(m, _):
        k = s + m * NS
        @pl.when(k < ZCH)
        def _():
            off = pl.multiple_of(k * EB, 8)
            pltpu.sync_copy(acc_sh.at[pl.ds(off, EB)],
                            acc_out.at[c].at[pl.ds(off, EB)])
        @pl.when(k < DCH)
        def _():
            doff = pl.multiple_of(k * 128, 128)
            pltpu.sync_copy(den_sh.at[pl.ds(doff, 128)],
                            den_out.at[c].at[pl.ds(doff, 128)])
        return None
    lax.fori_loop(0, (ZCH + NS - 1) // NS, _wout, None)


@functools.cache
def _edge():
    return pl.kernel(
        _edge_body,
        out_type=(
            jax.ShapeDtypeStruct((NC, N_PAD, D), jnp.float32),
            jax.ShapeDtypeStruct((NC, N_PAD), jnp.float32),
        ),
        mesh=plsc.VectorSubcoreMesh(
            core_axis_name="c", subcore_axis_name="s",
            num_cores=NC, num_subcores=NS),
        compiler_params=pltpu.CompilerParams(needs_layout_passes=False),
        scratch_types=[
            pltpu.VMEM((NBATCH, EB), jnp.int32),
            pltpu.VMEM((NBATCH, EB), jnp.int32),
            pltpu.VMEM((EB,), jnp.float32),
            pltpu.VMEM((128,), jnp.float32),
            pltpu.VMEM((EB, D), jnp.float32),
            pltpu.VMEM((N_PAD,), jnp.float32),
            pltpu.VMEM_SHARED((N_PAD, D), jnp.float32),
            pltpu.VMEM_SHARED((N_PAD,), jnp.float32),
        ],
    )


def _fin_body(parts_ref, dp_ref, r_ref, o_ref):
    p = parts_ref[...]
    acc = p[0] + p[1]
    den = dp_ref[:, 0:1] + dp_ref[:, 1:2]
    o_ref[...] = jnp.where(den > 0.0, acc / den, 0.0) + r_ref[...]


def _fin(parts, dparts, r):
    return pl.pallas_call(
        _fin_body,
        grid=(NBLK,),
        in_specs=[
            pl.BlockSpec((NC, BN, D), lambda i: (0, i, 0)),
            pl.BlockSpec((BN, NC), lambda i: (i, 0)),
            pl.BlockSpec((BN, D), lambda i: (i, 0)),
        ],
        out_specs=pl.BlockSpec((BN, D), lambda i: (i, 0)),
        out_shape=jax.ShapeDtypeStruct((N, D), jnp.float32),
    )(parts, dparts, r)


def kernel(x, edge_index, W_msg, b_msg, W_root, b_root):
    ei = edge_index.astype(jnp.int32)
    row = jnp.pad(ei[0], (0, E_PAD - E), constant_values=0).reshape(NW, NBATCH, EB)
    dummy = N + (jnp.arange(E_PAD - E, dtype=jnp.int32) % (N_PAD - N))
    col = jnp.concatenate([ei[1], dummy]).reshape(NW, NBATCH, EB)
    m, r, s, c = _prep(x, W_msg, b_msg.reshape(1, D), W_root, b_root.reshape(1, D))
    p, ev = _aug(m, s, c)
    evp = jnp.pad(ev.reshape(N), (0, N_PAD - N))
    parts, dparts = _edge()(row, col, p, evp)
    return _fin(parts, dparts.T, r)

# --- scband reference (transcript-rebuilt; emitter-appended) ---
"""Pipeline reference for scband-genconv-936302871063 (READ-ONLY COPY).

The authoritative reference and input builder live on the scoring server;
editing this copy changes nothing except your own understanding.
"""

import jax, jax.numpy as jnp
import numpy as np

N_NODES = 10000
N_EDGES = 320000
D_IN = 128
D_OUT = 128
BETA = 1.0

def setup_inputs(seed: int = 0) -> dict:
    key = jax.random.key(seed)
    k_x, k_ei, k_wm, k_bm, k_wr, k_br = jax.random.split(key, 6)
    x = jax.random.normal(k_x, (N_NODES, D_IN), dtype=jnp.float32)
    edge_index = jax.random.randint(k_ei, (2, N_EDGES), 0, N_NODES, dtype=jnp.int64)
    W_msg = jax.random.normal(k_wm, (D_IN, D_OUT), dtype=jnp.float32) * (1.0 / np.sqrt(D_IN))
    b_msg = jax.random.normal(k_bm, (D_OUT,), dtype=jnp.float32) * 0.01
    W_root = jax.random.normal(k_wr, (D_IN, D_OUT), dtype=jnp.float32) * (1.0 / np.sqrt(D_IN))
    b_root = jax.random.normal(k_br, (D_OUT,), dtype=jnp.float32) * 0.01
    return {"x": x, "edge_index": edge_index, "W_msg": W_msg, "b_msg": b_msg, "W_root": W_root, "b_root": b_root}

def reference(x, edge_index, W_msg, b_msg, W_root, b_root):
    row = edge_index[0]
    col = edge_index[1]
    n = x.shape[0]
    # message linear on gathered source features
    messages = jnp.take(x, row, axis=0) @ W_msg + b_msg  # [E, D_OUT]
    scores = BETA * jnp.mean(messages, axis=-1)  # [E]
    # edge softmax grouped by destination node (col)
    seg_max = jax.ops.segment_max(scores, col, num_segments=n)  # [N]
    seg_max = jnp.where(jnp.isfinite(seg_max), seg_max, 0.0)
    exp_scores = jnp.exp(scores - jnp.take(seg_max, col, axis=0))  # [E]
    seg_sum = jax.ops.segment_sum(exp_scores, col, num_segments=n)  # [N]
    weights = exp_scores / (jnp.take(seg_sum, col, axis=0) + 1e-16)  # [E]
    out = jnp.zeros((n, D_OUT), dtype=x.dtype).at[col].add(messages * weights[:, None])
    return out + (x @ W_root + b_root)

if __name__ == "__main__":
    import jax
    _d = setup_inputs()
    print(jax.jit(kernel)(*tuple(_d.values())))

</pallas_src>

<mosaic_0001>
#map = affine_map<(d0, d1) -> (0, 0, 0)>
#map1 = affine_map<(d0, d1) -> (0, 0)>
#map2 = affine_map<(d0, d1) -> (0)>
module attributes {stable_mosaic.version = 14 : i64} {
  func.func @_edge_body(%arg0: i32, %arg1: i32, %arg2: memref<32x80x128xi32, #tpu.memory_space<hbm>>, %arg3: memref<32x80x128xi32, #tpu.memory_space<hbm>>, %arg4: memref<10000x128xf32, #tpu.memory_space<hbm>>, %arg5: memref<10112xf32, #tpu.memory_space<hbm>>, %arg6: memref<2x10112x128xf32, #tpu.memory_space<hbm>>, %arg7: memref<2x10112xf32, #tpu.memory_space<hbm>>, %arg8: memref<80x128xi32, #tpu.memory_space<vmem>>, %arg9: memref<80x128xi32, #tpu.memory_space<vmem>>, %arg10: memref<128xf32, #tpu.memory_space<vmem>>, %arg11: memref<128xf32, #tpu.memory_space<vmem>>, %arg12: memref<128x128xf32, #tpu.memory_space<vmem>>, %arg13: memref<10112xf32, #tpu.memory_space<vmem>>, %arg14: memref<10112x128xf32, #tpu.memory_space<vmem_shared>>, %arg15: memref<10112xf32, #tpu.memory_space<vmem_shared>>) attributes {dimension_semantics = [#tpu.dimension_semantics<core_parallel>, #tpu.dimension_semantics<subcore_parallel>], iteration_bounds = array<i64: 2, 16>, scalar_prefetch = 0 : i64, scratch_operands = 8 : i64, tpu.core_type = #tpu.core_type<sc_vector_subcore>, window_params = [{transform_indices = #map}, {transform_indices = #map}, {transform_indices = #map1}, {transform_indices = #map2}, {transform_indices = #map}, {transform_indices = #map1}]} {
    %mul3A = arith.constant 16 : i32
    %mul3A_0 = arith.muli %arg0, %mul3A : i32
    %add3A = arith.addi %mul3A_0, %arg1 : i32
    "tpu.region"() ({
      %run_scoped3A = tpu.sem_alloc : memref<!tpu.dma_semaphore, #tpu.memory_space<semaphore_mem>>
      tpu.enqueue_dma source(%arg5 : memref<10112xf32, #tpu.memory_space<hbm>>) target(%arg13 : memref<10112xf32, #tpu.memory_space<vmem>>) target_semaphore(%run_scoped3A : memref<!tpu.dma_semaphore, #tpu.memory_space<semaphore_mem>>)
      tpu.wait_dma2 semaphore(%run_scoped3A : memref<!tpu.dma_semaphore, #tpu.memory_space<semaphore_mem>>) src(%arg5 : memref<10112xf32, #tpu.memory_space<hbm>>) dst(%arg13 : memref<10112xf32, #tpu.memory_space<vmem>>)
      tpu.yield
    }) : () -> ()
    "tpu.region"() ({
      %run_scoped3A = tpu.sem_alloc : memref<!tpu.dma_semaphore, #tpu.memory_space<semaphore_mem>>
      %dma_start3A = arith.constant 0 : i32
      %dma_start3A_26 = arith.constant 0 : i32
      %dma_start3A_27 = tpu.memref_slice %arg2[%add3A, %dma_start3A, %dma_start3A_26] : memref<32x80x128xi32, #tpu.memory_space<hbm>> -> memref<1x80x128xi32, #tpu.memory_space<hbm>>
      %dma_start3A_28 = tpu.memref_squeeze %dma_start3A_27 : memref<1x80x128xi32, #tpu.memory_space<hbm>> -> memref<80x128xi32, #tpu.memory_space<hbm>>
      %dma_start3A_29 = arith.constant 0 : i32
      %dma_start3A_30 = arith.constant 0 : i32
      %dma_start3A_31 = tpu.memref_slice %arg2[%add3A, %dma_start3A_29, %dma_start3A_30] : memref<32x80x128xi32, #tpu.memory_space<hbm>> -> memref<1x80x128xi32, #tpu.memory_space<hbm>>
      %dma_start3A_32 = tpu.memref_squeeze %dma_start3A_31 : memref<1x80x128xi32, #tpu.memory_space<hbm>> -> memref<80x128xi32, #tpu.memory_space<hbm>>
      tpu.enqueue_dma source(%dma_start3A_32 : memref<80x128xi32, #tpu.memory_space<hbm>>) target(%arg8 : memref<80x128xi32, #tpu.memory_space<vmem>>) target_semaphore(%run_scoped3A : memref<!tpu.dma_semaphore, #tpu.memory_space<semaphore_mem>>)
      %dma_wait3A = arith.constant 0 : i32
      %dma_wait3A_33 = arith.constant 0 : i32
      %dma_wait3A_34 = tpu.memref_slice %arg2[%add3A, %dma_wait3A, %dma_wait3A_33] : memref<32x80x128xi32, #tpu.memory_space<hbm>> -> memref<1x80x128xi32, #tpu.memory_space<hbm>>
      %dma_wait3A_35 = tpu.memref_squeeze %dma_wait3A_34 : memref<1x80x128xi32, #tpu.memory_space<hbm>> -> memref<80x128xi32, #tpu.memory_space<hbm>>
      %dma_wait3A_36 = arith.constant 0 : i32
      %dma_wait3A_37 = arith.constant 0 : i32
      %dma_wait3A_38 = tpu.memref_slice %arg2[%add3A, %dma_wait3A_36, %dma_wait3A_37] : memref<32x80x128xi32, #tpu.memory_space<hbm>> -> memref<1x80x128xi32, #tpu.memory_space<hbm>>
      %dma_wait3A_39 = tpu.memref_squeeze %dma_wait3A_38 : memref<1x80x128xi32, #tpu.memory_space<hbm>> -> memref<80x128xi32, #tpu.memory_space<hbm>>
      tpu.wait_dma2 semaphore(%run_scoped3A : memref<!tpu.dma_semaphore, #tpu.memory_space<semaphore_mem>>) src(%dma_wait3A_39 : memref<80x128xi32, #tpu.memory_space<hbm>>) dst(%arg8 : memref<80x128xi32, #tpu.memory_space<vmem>>)
      tpu.yield
    }) : () -> ()
    "tpu.region"() ({
      %run_scoped3A = tpu.sem_alloc : memref<!tpu.dma_semaphore, #tpu.memory_space<semaphore_mem>>
      %dma_start3A = arith.constant 0 : i32
      %dma_start3A_26 = arith.constant 0 : i32
      %dma_start3A_27 = tpu.memref_slice %arg3[%add3A, %dma_start3A, %dma_start3A_26] : memref<32x80x128xi32, #tpu.memory_space<hbm>> -> memref<1x80x128xi32, #tpu.memory_space<hbm>>
      %dma_start3A_28 = tpu.memref_squeeze %dma_start3A_27 : memref<1x80x128xi32, #tpu.memory_space<hbm>> -> memref<80x128xi32, #tpu.memory_space<hbm>>
      %dma_start3A_29 = arith.constant 0 : i32
      %dma_start3A_30 = arith.constant 0 : i32
      %dma_start3A_31 = tpu.memref_slice %arg3[%add3A, %dma_start3A_29, %dma_start3A_30] : memref<32x80x128xi32, #tpu.memory_space<hbm>> -> memref<1x80x128xi32, #tpu.memory_space<hbm>>
      %dma_start3A_32 = tpu.memref_squeeze %dma_start3A_31 : memref<1x80x128xi32, #tpu.memory_space<hbm>> -> memref<80x128xi32, #tpu.memory_space<hbm>>
      tpu.enqueue_dma source(%dma_start3A_32 : memref<80x128xi32, #tpu.memory_space<hbm>>) target(%arg9 : memref<80x128xi32, #tpu.memory_space<vmem>>) target_semaphore(%run_scoped3A : memref<!tpu.dma_semaphore, #tpu.memory_space<semaphore_mem>>)
      %dma_wait3A = arith.constant 0 : i32
      %dma_wait3A_33 = arith.constant 0 : i32
      %dma_wait3A_34 = tpu.memref_slice %arg3[%add3A, %dma_wait3A, %dma_wait3A_33] : memref<32x80x128xi32, #tpu.memory_space<hbm>> -> memref<1x80x128xi32, #tpu.memory_space<hbm>>
      %dma_wait3A_35 = tpu.memref_squeeze %dma_wait3A_34 : memref<1x80x128xi32, #tpu.memory_space<hbm>> -> memref<80x128xi32, #tpu.memory_space<hbm>>
      %dma_wait3A_36 = arith.constant 0 : i32
      %dma_wait3A_37 = arith.constant 0 : i32
      %dma_wait3A_38 = tpu.memref_slice %arg3[%add3A, %dma_wait3A_36, %dma_wait3A_37] : memref<32x80x128xi32, #tpu.memory_space<hbm>> -> memref<1x80x128xi32, #tpu.memory_space<hbm>>
      %dma_wait3A_39 = tpu.memref_squeeze %dma_wait3A_38 : memref<1x80x128xi32, #tpu.memory_space<hbm>> -> memref<80x128xi32, #tpu.memory_space<hbm>>
      tpu.wait_dma2 semaphore(%run_scoped3A : memref<!tpu.dma_semaphore, #tpu.memory_space<semaphore_mem>>) src(%dma_wait3A_39 : memref<80x128xi32, #tpu.memory_space<hbm>>) dst(%arg9 : memref<80x128xi32, #tpu.memory_space<vmem>>)
      tpu.yield
    }) : () -> ()
    %scan3A = arith.constant 0 : i32
    %scan3A_1 = arith.constant 128 : i32
    %scan3A_2 = arith.addi %scan3A, %scan3A_1 : i32
    %scan3A_3 = arith.constant 1 : i32
    scf.for %scan3A_26 = %scan3A to %scan3A_2 step %scan3A_3  : i32 {
      %scan3A_27 = arith.constant 0 : i32
      %scan3A_28 = arith.constant 8 : i32
      %scan3A_29 = arith.addi %scan3A_27, %scan3A_28 : i32
      %scan3A_30 = arith.constant 1 : i32
      scf.for %scan3A_32 = %scan3A_27 to %scan3A_29 step %scan3A_30  : i32 {
        %broadcast_in_dim3A = arith.constant 0.000000e+00 : f32
        %broadcast_in_dim3A_33 = vector.broadcast %broadcast_in_dim3A : f32 to vector<16xf32>
        %mul3A_34 = arith.constant 16 : i32
        %mul3A_35 = arith.muli %scan3A_32, %mul3A_34 : i32
        %swap3A = arith.index_cast %scan3A_26 : i32 to index
        %swap3A_36 = arith.index_cast %mul3A_35 : i32 to index
        %swap3A_37 = tpu.vector_load %arg12[%swap3A, %swap3A_36] {strides = array<i32>} : memref<128x128xf32, #tpu.memory_space<vmem>>, vector<16xf32>,
        tpu.vector_store %arg12[%swap3A, %swap3A_36], %broadcast_in_dim3A_33 {strides = array<i32>} : memref<128x128xf32, #tpu.memory_space<vmem>>, vector<16xf32>,
      }
      %scan3A_31 = arith.constant 8 : i32
    }
    %scan3A_4 = arith.constant 128 : i32
    %scan3A_5 = arith.constant 0 : i32
    %scan3A_6 = arith.constant 8 : i32
    %scan3A_7 = arith.addi %scan3A_5, %scan3A_6 : i32
    %scan3A_8 = arith.constant 1 : i32
    scf.for %scan3A_26 = %scan3A_5 to %scan3A_7 step %scan3A_8  : i32 {
      %broadcast_in_dim3A = arith.constant 0.000000e+00 : f32
      %broadcast_in_dim3A_27 = vector.broadcast %broadcast_in_dim3A : f32 to vector<16xf32>
      %mul3A_28 = arith.constant 16 : i32
      %mul3A_29 = arith.muli %scan3A_26, %mul3A_28 : i32
      %swap3A = arith.index_cast %mul3A_29 : i32 to index
      %swap3A_30 = tpu.vector_load %arg11[%swap3A] {strides = array<i32>} : memref<128xf32, #tpu.memory_space<vmem>>, vector<16xf32>,
      tpu.vector_store %arg11[%swap3A], %broadcast_in_dim3A_27 {strides = array<i32>} : memref<128xf32, #tpu.memory_space<vmem>>, vector<16xf32>,
    }
    %scan3A_9 = arith.constant 8 : i32
    %scan3A_10 = arith.constant 0 : i32
    %scan3A_11 = arith.constant 5 : i32
    %scan3A_12 = arith.addi %scan3A_10, %scan3A_11 : i32
    %scan3A_13 = arith.constant 1 : i32
    scf.for %scan3A_26 = %scan3A_10 to %scan3A_12 step %scan3A_13  : i32 {
      %mul3A_27 = arith.constant 16 : i32
      %mul3A_28 = arith.muli %scan3A_26, %mul3A_27 : i32
      %add3A_29 = arith.addi %arg1, %mul3A_28 : i32
      %lt3A = arith.constant 79 : i32
      %lt3A_30 = arith.cmpi slt, %add3A_29, %lt3A : i32
      %convert_element_type3A = arith.extui %lt3A_30 : i1 to i32
      %cond3A = arith.constant 0 : i32
      %cond3A_31 = arith.cmpi ne, %convert_element_type3A, %cond3A : i32
      scf.if %cond3A_31 {
        %mul3A_37 = arith.constant 128 : i32
        %mul3A_38 = arith.muli %add3A_29, %mul3A_37 : i32
        %multiple_of3A = tpu.assume_multiple %mul3A_38, 8 : i32
        "tpu.region"() ({
          %run_scoped3A = tpu.sem_alloc : memref<!tpu.dma_semaphore, #tpu.memory_space<semaphore_mem>>
          %dma_start3A = arith.constant 0 : i32
          %dma_start3A_39 = tpu.memref_slice %arg14[%multiple_of3A, %dma_start3A] : memref<10112x128xf32, #tpu.memory_space<vmem_shared>> -> memref<128x128xf32, #tpu.memory_space<vmem_shared>>
          %dma_start3A_40 = arith.constant 0 : i32
          %dma_start3A_41 = tpu.memref_slice %arg14[%multiple_of3A, %dma_start3A_40] : memref<10112x128xf32, #tpu.memory_space<vmem_shared>> -> memref<128x128xf32, #tpu.memory_space<vmem_shared>>
          tpu.enqueue_dma source(%arg12 : memref<128x128xf32, #tpu.memory_space<vmem>>) target(%dma_start3A_41 : memref<128x128xf32, #tpu.memory_space<vmem_shared>>) target_semaphore(%run_scoped3A : memref<!tpu.dma_semaphore, #tpu.memory_space<semaphore_mem>>)
          %dma_wait3A = arith.constant 0 : i32
          %dma_wait3A_42 = tpu.memref_slice %arg14[%multiple_of3A, %dma_wait3A] : memref<10112x128xf32, #tpu.memory_space<vmem_shared>> -> memref<128x128xf32, #tpu.memory_space<vmem_shared>>
          %dma_wait3A_43 = arith.constant 0 : i32
          %dma_wait3A_44 = tpu.memref_slice %arg14[%multiple_of3A, %dma_wait3A_43] : memref<10112x128xf32, #tpu.memory_space<vmem_shared>> -> memref<128x128xf32, #tpu.memory_space<vmem_shared>>
          tpu.wait_dma2 semaphore(%run_scoped3A : memref<!tpu.dma_semaphore, #tpu.memory_space<semaphore_mem>>) src(%arg12 : memref<128x128xf32, #tpu.memory_space<vmem>>) dst(%dma_wait3A_44 : memref<128x128xf32, #tpu.memory_space<vmem_shared>>)
          tpu.yield
        }) : () -> ()
      } else {
      }
      %lt3A_32 = arith.constant 79 : i32
      %lt3A_33 = arith.cmpi slt, %add3A_29, %lt3A_32 : i32
      %convert_element_type3A_34 = arith.extui %lt3A_33 : i1 to i32
      %cond3A_35 = arith.constant 0 : i32
      %cond3A_36 = arith.cmpi ne, %convert_element_type3A_34, %cond3A_35 : i32
      scf.if %cond3A_36 {
        %mul3A_37 = arith.constant 128 : i32
        %mul3A_38 = arith.muli %add3A_29, %mul3A_37 : i32
        %multiple_of3A = tpu.assume_multiple %mul3A_38, 128 : i32
        "tpu.region"() ({
          %run_scoped3A = tpu.sem_alloc : memref<!tpu.dma_semaphore, #tpu.memory_space<semaphore_mem>>
          %dma_start3A = tpu.memref_slice %arg15[%multiple_of3A] : memref<10112xf32, #tpu.memory_space<vmem_shared>> -> memref<128xf32, #tpu.memory_space<vmem_shared>>
          %dma_start3A_39 = tpu.memref_slice %arg15[%multiple_of3A] : memref<10112xf32, #tpu.memory_space<vmem_shared>> -> memref<128xf32, #tpu.memory_space<vmem_shared>>
          tpu.enqueue_dma source(%arg11 : memref<128xf32, #tpu.memory_space<vmem>>) target(%dma_start3A_39 : memref<128xf32, #tpu.memory_space<vmem_shared>>) target_semaphore(%run_scoped3A : memref<!tpu.dma_semaphore, #tpu.memory_space<semaphore_mem>>)
          %dma_wait3A = tpu.memref_slice %arg15[%multiple_of3A] : memref<10112xf32, #tpu.memory_space<vmem_shared>> -> memref<128xf32, #tpu.memory_space<vmem_shared>>
          %dma_wait3A_40 = tpu.memref_slice %arg15[%multiple_of3A] : memref<10112xf32, #tpu.memory_space<vmem_shared>> -> memref<128xf32, #tpu.memory_space<vmem_shared>>
          tpu.wait_dma2 semaphore(%run_scoped3A : memref<!tpu.dma_semaphore, #tpu.memory_space<semaphore_mem>>) src(%arg11 : memref<128xf32, #tpu.memory_space<vmem>>) dst(%dma_wait3A_40 : memref<128xf32, #tpu.memory_space<vmem_shared>>)
          tpu.yield
        }) : () -> ()
      } else {
      }
    }
    %scan3A_14 = arith.constant 5 : i32
    %barrier3A = arith.constant 0 : index
    tpu.barrier barrier_id(%barrier3A)
    %scan3A_15 = arith.constant 0 : i32
    %scan3A_16 = arith.constant 80 : i32
    %scan3A_17 = arith.addi %scan3A_15, %scan3A_16 : i32
    %scan3A_18 = arith.constant 1 : i32
    scf.for %scan3A_26 = %scan3A_15 to %scan3A_17 step %scan3A_18  : i32 {
      "tpu.region"() ({
        %run_scoped3A = tpu.sem_alloc : memref<!tpu.dma_semaphore, #tpu.memory_space<semaphore_mem>>
        %dma_start3A = arith.constant 0 : i32
        %dma_start3A_32 = tpu.memref_slice %arg8[%scan3A_26, %dma_start3A] : memref<80x128xi32, #tpu.memory_space<vmem>> -> memref<1x128xi32, #tpu.memory_space<vmem>>
        %dma_start3A_33 = tpu.memref_squeeze %dma_start3A_32 : memref<1x128xi32, #tpu.memory_space<vmem>> -> memref<128xi32, #tpu.memory_space<vmem>>
        %dma_start3A_34 = arith.constant 0 : i32
        %dma_start3A_35 = arith.constant 0 : i32
        %dma_start3A_36 = tpu.memref_slice %arg4[%dma_start3A_34, %dma_start3A_35] : memref<10000x128xf32, #tpu.memory_space<hbm>> -> memref<10000x128xf32, #tpu.memory_space<hbm>>
        tpu.enqueue_indirect_dma source(%dma_start3A_36 : memref<10000x128xf32, #tpu.memory_space<hbm>>) target(%arg12 : memref<128x128xf32, #tpu.memory_space<vmem>>) offsets(%dma_start3A_33 : memref<128xi32, #tpu.memory_space<vmem>>) semaphore(%run_scoped3A : memref<!tpu.dma_semaphore, #tpu.memory_space<semaphore_mem>>)
        %dma_wait3A = arith.constant 0 : i32
        %dma_wait3A_37 = tpu.memref_slice %arg8[%scan3A_26, %dma_wait3A] : memref<80x128xi32, #tpu.memory_space<vmem>> -> memref<1x128xi32, #tpu.memory_space<vmem>>
        %dma_wait3A_38 = tpu.memref_squeeze %dma_wait3A_37 : memref<1x128xi32, #tpu.memory_space<vmem>> -> memref<128xi32, #tpu.memory_space<vmem>>
        %dma_wait3A_39 = arith.constant 0 : i32
        %dma_wait3A_40 = arith.constant 0 : i32
        %dma_wait3A_41 = tpu.memref_slice %arg4[%dma_wait3A_39, %dma_wait3A_40] : memref<10000x128xf32, #tpu.memory_space<hbm>> -> memref<10000x128xf32, #tpu.memory_space<hbm>>
        tpu.wait_indirect_dma semaphore(%run_scoped3A : memref<!tpu.dma_semaphore, #tpu.memory_space<semaphore_mem>>) src(%dma_wait3A_41 : memref<10000x128xf32, #tpu.memory_space<hbm>>) dst(%arg12 : memref<128x128xf32, #tpu.memory_space<vmem>>)
        tpu.yield
      }) : () -> ()
      "tpu.region"() ({
        %run_scoped3A = tpu.sem_alloc : memref<!tpu.dma_semaphore, #tpu.memory_space<semaphore_mem>>
        %dma_start3A = arith.constant 0 : i32
        %dma_start3A_32 = tpu.memref_slice %arg9[%scan3A_26, %dma_start3A] : memref<80x128xi32, #tpu.memory_space<vmem>> -> memref<1x128xi32, #tpu.memory_space<vmem>>
        %dma_start3A_33 = tpu.memref_squeeze %dma_start3A_32 : memref<1x128xi32, #tpu.memory_space<vmem>> -> memref<128xi32, #tpu.memory_space<vmem>>
        %dma_start3A_34 = arith.constant 0 : i32
        %dma_start3A_35 = arith.constant 0 : i32
        %dma_start3A_36 = tpu.memref_slice %arg14[%dma_start3A_34, %dma_start3A_35] : memref<10112x128xf32, #tpu.memory_space<vmem_shared>> -> memref<10112x128xf32, #tpu.memory_space<vmem_shared>>
        tpu.enqueue_indirect_dma source(%arg12 : memref<128x128xf32, #tpu.memory_space<vmem>>) target(%dma_start3A_36 : memref<10112x128xf32, #tpu.memory_space<vmem_shared>>) offsets(%dma_start3A_33 : memref<128xi32, #tpu.memory_space<vmem>>) semaphore(%run_scoped3A : memref<!tpu.dma_semaphore, #tpu.memory_space<semaphore_mem>>) {add = true}
        %dma_wait3A = arith.constant 0 : i32
        %dma_wait3A_37 = tpu.memref_slice %arg9[%scan3A_26, %dma_wait3A] : memref<80x128xi32, #tpu.memory_space<vmem>> -> memref<1x128xi32, #tpu.memory_space<vmem>>
        %dma_wait3A_38 = tpu.memref_squeeze %dma_wait3A_37 : memref<1x128xi32, #tpu.memory_space<vmem>> -> memref<128xi32, #tpu.memory_space<vmem>>
        %dma_wait3A_39 = arith.constant 0 : i32
        %dma_wait3A_40 = arith.constant 0 : i32
        %dma_wait3A_41 = tpu.memref_slice %arg14[%dma_wait3A_39, %dma_wait3A_40] : memref<10112x128xf32, #tpu.memory_space<vmem_shared>> -> memref<10112x128xf32, #tpu.memory_space<vmem_shared>>
        tpu.wait_indirect_dma semaphore(%run_scoped3A : memref<!tpu.dma_semaphore, #tpu.memory_space<semaphore_mem>>) src(%arg12 : memref<128x128xf32, #tpu.memory_space<vmem>>) dst(%dma_wait3A_41 : memref<10112x128xf32, #tpu.memory_space<vmem_shared>>)
        tpu.yield
      }) : () -> ()
      %scan3A_27 = arith.constant 0 : i32
      %scan3A_28 = arith.constant 8 : i32
      %scan3A_29 = arith.addi %scan3A_27, %scan3A_28 : i32
      %scan3A_30 = arith.constant 1 : i32
      scf.for %scan3A_32 = %scan3A_27 to %scan3A_29 step %scan3A_30  : i32 {
        %mul3A_33 = arith.constant 16 : i32
        %mul3A_34 = arith.muli %scan3A_32, %mul3A_33 : i32
        %get3A = arith.index_cast %scan3A_26 : i32 to index
        %get3A_35 = arith.index_cast %mul3A_34 : i32 to index
        %get3A_36 = tpu.vector_load %arg8[%get3A, %get3A_35] {strides = array<i32>} : memref<80x128xi32, #tpu.memory_space<vmem>>, vector<16xi32>,
        %gather3A = tpu.vector_load_idx %arg13[%get3A_36] : memref<10112xf32, #tpu.memory_space<vmem>>[vector<16xi32>], vector<16xf32>,
        %mul3A_37 = arith.constant 16 : i32
        %mul3A_38 = arith.muli %scan3A_32, %mul3A_37 : i32
        %swap3A = arith.index_cast %mul3A_38 : i32 to index
        %swap3A_39 = tpu.vector_load %arg10[%swap3A] {strides = array<i32>} : memref<128xf32, #tpu.memory_space<vmem>>, vector<16xf32>,
        tpu.vector_store %arg10[%swap3A], %gather3A {strides = array<i32>} : memref<128xf32, #tpu.memory_space<vmem>>, vector<16xf32>,
      }
      %scan3A_31 = arith.constant 8 : i32
      "tpu.region"() ({
        %run_scoped3A = tpu.sem_alloc : memref<!tpu.dma_semaphore, #tpu.memory_space<semaphore_mem>>
        %dma_start3A = arith.constant 0 : i32
        %dma_start3A_32 = tpu.memref_slice %arg9[%scan3A_26, %dma_start3A] : memref<80x128xi32, #tpu.memory_space<vmem>> -> memref<1x128xi32, #tpu.memory_space<vmem>>
        %dma_start3A_33 = tpu.memref_squeeze %dma_start3A_32 : memref<1x128xi32, #tpu.memory_space<vmem>> -> memref<128xi32, #tpu.memory_space<vmem>>
        %dma_start3A_34 = arith.constant 0 : i32
        %dma_start3A_35 = tpu.memref_slice %arg15[%dma_start3A_34] : memref<10112xf32, #tpu.memory_space<vmem_shared>> -> memref<10112xf32, #tpu.memory_space<vmem_shared>>
        tpu.enqueue_indirect_dma source(%arg10 : memref<128xf32, #tpu.memory_space<vmem>>) target(%dma_start3A_35 : memref<10112xf32, #tpu.memory_space<vmem_shared>>) offsets(%dma_start3A_33 : memref<128xi32, #tpu.memory_space<vmem>>) semaphore(%run_scoped3A : memref<!tpu.dma_semaphore, #tpu.memory_space<semaphore_mem>>) {add = true}
        %dma_wait3A = arith.constant 0 : i32
        %dma_wait3A_36 = tpu.memref_slice %arg9[%scan3A_26, %dma_wait3A] : memref<80x128xi32, #tpu.memory_space<vmem>> -> memref<1x128xi32, #tpu.memory_space<vmem>>
        %dma_wait3A_37 = tpu.memref_squeeze %dma_wait3A_36 : memref<1x128xi32, #tpu.memory_space<vmem>> -> memref<128xi32, #tpu.memory_space<vmem>>
        %dma_wait3A_38 = arith.constant 0 : i32
        %dma_wait3A_39 = tpu.memref_slice %arg15[%dma_wait3A_38] : memref<10112xf32, #tpu.memory_space<vmem_shared>> -> memref<10112xf32, #tpu.memory_space<vmem_shared>>
        tpu.wait_indirect_dma semaphore(%run_scoped3A : memref<!tpu.dma_semaphore, #tpu.memory_space<semaphore_mem>>) src(%arg10 : memref<128xf32, #tpu.memory_space<vmem>>) dst(%dma_wait3A_39 : memref<10112xf32, #tpu.memory_space<vmem_shared>>)
        tpu.yield
      }) : () -> ()
    }
    %scan3A_19 = arith.constant 80 : i32
    %barrier3A_20 = arith.constant 0 : index
    tpu.barrier barrier_id(%barrier3A_20)
    %scan3A_21 = arith.constant 0 : i32
    %scan3A_22 = arith.constant 5 : i32
    %scan3A_23 = arith.addi %scan3A_21, %scan3A_22 : i32
    %scan3A_24 = arith.constant 1 : i32
    scf.for %scan3A_26 = %scan3A_21 to %scan3A_23 step %scan3A_24  : i32 {
      %mul3A_27 = arith.constant 16 : i32
      %mul3A_28 = arith.muli %scan3A_26, %mul3A_27 : i32
      %add3A_29 = arith.addi %arg1, %mul3A_28 : i32
      %lt3A = arith.constant 79 : i32
      %lt3A_30 = arith.cmpi slt, %add3A_29, %lt3A : i32
      %convert_element_type3A = arith.extui %lt3A_30 : i1 to i32
      %cond3A = arith.constant 0 : i32
      %cond3A_31 = arith.cmpi ne, %convert_element_type3A, %cond3A : i32
      scf.if %cond3A_31 {
        %mul3A_37 = arith.constant 128 : i32
        %mul3A_38 = arith.muli %add3A_29, %mul3A_37 : i32
        %multiple_of3A = tpu.assume_multiple %mul3A_38, 8 : i32
        "tpu.region"() ({
          %run_scoped3A = tpu.sem_alloc : memref<!tpu.dma_semaphore, #tpu.memory_space<semaphore_mem>>
          %dma_start3A = arith.constant 0 : i32
          %dma_start3A_39 = arith.constant 0 : i32
          %dma_start3A_40 = tpu.memref_slice %arg6[%arg0, %dma_start3A, %dma_start3A_39] : memref<2x10112x128xf32, #tpu.memory_space<hbm>> -> memref<1x10112x128xf32, #tpu.memory_space<hbm>>
          %dma_start3A_41 = tpu.memref_squeeze %dma_start3A_40 : memref<1x10112x128xf32, #tpu.memory_space<hbm>> -> memref<10112x128xf32, #tpu.memory_space<hbm>>
          %dma_start3A_42 = arith.constant 0 : i32
          %dma_start3A_43 = tpu.memref_slice %dma_start3A_41[%multiple_of3A, %dma_start3A_42] : memref<10112x128xf32, #tpu.memory_space<hbm>> -> memref<128x128xf32, #tpu.memory_space<hbm>>
          %dma_start3A_44 = arith.constant 0 : i32
          %dma_start3A_45 = tpu.memref_slice %arg14[%multiple_of3A, %dma_start3A_44] : memref<10112x128xf32, #tpu.memory_space<vmem_shared>> -> memref<128x128xf32, #tpu.memory_space<vmem_shared>>
          tpu.enqueue_dma source(%dma_start3A_45 : memref<128x128xf32, #tpu.memory_space<vmem_shared>>) target(%dma_start3A_43 : memref<128x128xf32, #tpu.memory_space<hbm>>) target_semaphore(%run_scoped3A : memref<!tpu.dma_semaphore, #tpu.memory_space<semaphore_mem>>)
          %dma_wait3A = arith.constant 0 : i32
          %dma_wait3A_46 = arith.constant 0 : i32
          %dma_wait3A_47 = tpu.memref_slice %arg6[%arg0, %dma_wait3A, %dma_wait3A_46] : memref<2x10112x128xf32, #tpu.memory_space<hbm>> -> memref<1x10112x128xf32, #tpu.memory_space<hbm>>
          %dma_wait3A_48 = tpu.memref_squeeze %dma_wait3A_47 : memref<1x10112x128xf32, #tpu.memory_space<hbm>> -> memref<10112x128xf32, #tpu.memory_space<hbm>>
          %dma_wait3A_49 = arith.constant 0 : i32
          %dma_wait3A_50 = tpu.memref_slice %dma_wait3A_48[%multiple_of3A, %dma_wait3A_49] : memref<10112x128xf32, #tpu.memory_space<hbm>> -> memref<128x128xf32, #tpu.memory_space<hbm>>
          %dma_wait3A_51 = arith.constant 0 : i32
          %dma_wait3A_52 = tpu.memref_slice %arg14[%multiple_of3A, %dma_wait3A_51] : memref<10112x128xf32, #tpu.memory_space<vmem_shared>> -> memref<128x128xf32, #tpu.memory_space<vmem_shared>>
          tpu.wait_dma2 semaphore(%run_scoped3A : memref<!tpu.dma_semaphore, #tpu.memory_space<semaphore_mem>>) src(%dma_wait3A_52 : memref<128x128xf32, #tpu.memory_space<vmem_shared>>) dst(%dma_wait3A_50 : memref<128x128xf32, #tpu.memory_space<hbm>>)
          tpu.yield
        }) : () -> ()
      } else {
      }
      %lt3A_32 = arith.constant 79 : i32
      %lt3A_33 = arith.cmpi slt, %add3A_29, %lt3A_32 : i32
      %convert_element_type3A_34 = arith.extui %lt3A_33 : i1 to i32
      %cond3A_35 = arith.constant 0 : i32
      %cond3A_36 = arith.cmpi ne, %convert_element_type3A_34, %cond3A_35 : i32
      scf.if %cond3A_36 {
        %mul3A_37 = arith.constant 128 : i32
        %mul3A_38 = arith.muli %add3A_29, %mul3A_37 : i32
        %multiple_of3A = tpu.assume_multiple %mul3A_38, 128 : i32
        "tpu.region"() ({
          %run_scoped3A = tpu.sem_alloc : memref<!tpu.dma_semaphore, #tpu.memory_space<semaphore_mem>>
          %dma_start3A = arith.constant 0 : i32
          %dma_start3A_39 = tpu.memref_slice %arg7[%arg0, %dma_start3A] : memref<2x10112xf32, #tpu.memory_space<hbm>> -> memref<1x10112xf32, #tpu.memory_space<hbm>>
          %dma_start3A_40 = tpu.memref_squeeze %dma_start3A_39 : memref<1x10112xf32, #tpu.memory_space<hbm>> -> memref<10112xf32, #tpu.memory_space<hbm>>
          %dma_start3A_41 = tpu.memref_slice %dma_start3A_40[%multiple_of3A] : memref<10112xf32, #tpu.memory_space<hbm>> -> memref<128xf32, #tpu.memory_space<hbm>>
          %dma_start3A_42 = tpu.memref_slice %arg15[%multiple_of3A] : memref<10112xf32, #tpu.memory_space<vmem_shared>> -> memref<128xf32, #tpu.memory_space<vmem_shared>>
          tpu.enqueue_dma source(%dma_start3A_42 : memref<128xf32, #tpu.memory_space<vmem_shared>>) target(%dma_start3A_41 : memref<128xf32, #tpu.memory_space<hbm>>) target_semaphore(%run_scoped3A : memref<!tpu.dma_semaphore, #tpu.memory_space<semaphore_mem>>)
          %dma_wait3A = arith.constant 0 : i32
          %dma_wait3A_43 = tpu.memref_slice %arg7[%arg0, %dma_wait3A] : memref<2x10112xf32, #tpu.memory_space<hbm>> -> memref<1x10112xf32, #tpu.memory_space<hbm>>
          %dma_wait3A_44 = tpu.memref_squeeze %dma_wait3A_43 : memref<1x10112xf32, #tpu.memory_space<hbm>> -> memref<10112xf32, #tpu.memory_space<hbm>>
          %dma_wait3A_45 = tpu.memref_slice %dma_wait3A_44[%multiple_of3A] : memref<10112xf32, #tpu.memory_space<hbm>> -> memref<128xf32, #tpu.memory_space<hbm>>
          %dma_wait3A_46 = tpu.memref_slice %arg15[%multiple_of3A] : memref<10112xf32, #tpu.memory_space<vmem_shared>> -> memref<128xf32, #tpu.memory_space<vmem_shared>>
          tpu.wait_dma2 semaphore(%run_scoped3A : memref<!tpu.dma_semaphore, #tpu.memory_space<semaphore_mem>>) src(%dma_wait3A_46 : memref<128xf32, #tpu.memory_space<vmem_shared>>) dst(%dma_wait3A_45 : memref<128xf32, #tpu.memory_space<hbm>>)
          tpu.yield
        }) : () -> ()
      } else {
      }
    }
    %scan3A_25 = arith.constant 5 : i32
    return
  }
}

module attributes {stable_mosaic.version = 14 : i64} {
  func.func @_prep_body(%arg0: i32, %arg1: memref<1000x128xf32, #tpu.memory_space<vmem>>, %arg2: memref<128x128xf32, #tpu.memory_space<vmem>>, %arg3: memref<1x128xf32, #tpu.memory_space<vmem>>, %arg4: memref<128x128xf32, #tpu.memory_space<vmem>>, %arg5: memref<1x128xf32, #tpu.memory_space<vmem>>, %arg6: memref<1000x128xf32, #tpu.memory_space<vmem>>, %arg7: memref<1000x128xf32, #tpu.memory_space<vmem>>, %arg8: memref<1000x1xf32, #tpu.memory_space<vmem>>, %arg9: memref<1x1xf32, #tpu.memory_space<smem>>, %arg10: memref<1x1xf32, #tpu.memory_space<smem>>) attributes {dimension_semantics = [#tpu.dimension_semantics<arbitrary>], iteration_bounds = array<i64: 10>, scalar_prefetch = 0 : i64, scratch_operands = 1 : i64, tpu.core_type = #tpu.core_type<tc>, window_params = [{transform_indices = @transform_0, window_bounds = array<i64: 1000, 128>}, {pipeline_mode = #tpu.pipeline_mode<synchronous>, transform_indices = @transform_1, window_bounds = array<i64: 128, 128>}, {pipeline_mode = #tpu.pipeline_mode<synchronous>, transform_indices = @transform_2, window_bounds = array<i64: 1, 128>}, {pipeline_mode = #tpu.pipeline_mode<synchronous>, transform_indices = @transform_3, window_bounds = array<i64: 128, 128>}, {pipeline_mode = #tpu.pipeline_mode<synchronous>, transform_indices = @transform_4, window_bounds = array<i64: 1, 128>}, {transform_indices = @transform_5, window_bounds = array<i64: 1000, 128>}, {transform_indices = @transform_6, window_bounds = array<i64: 1000, 128>}, {transform_indices = @transform_7, window_bounds = array<i64: 1000, 1>}, {transform_indices = @transform_8, window_bounds = array<i64: 1, 1>}]} {
    %get3A = arith.constant 0 : index
    %get3A_0 = arith.constant 0 : index
    %get3A_1 = vector.load %arg1[%get3A, %get3A_0] : memref<1000x128xf32, #tpu.memory_space<vmem>>, vector<1000x128xf32>
    %get3A_2 = arith.constant 0 : index
    %get3A_3 = arith.constant 0 : index
    %get3A_4 = vector.load %arg2[%get3A_2, %get3A_3] : memref<128x128xf32, #tpu.memory_space<vmem>>, vector<128x128xf32>
    %dot_general3A = arith.constant dense<0.000000e+00> : vector<1000x128xf32>
    %dot_general3A_5 = tpu.matmul %get3A_1, %get3A_4, %dot_general3A {dimension_numbers = #tpu.dot_dimension_numbers<[1], [0], [0], [1], [0, 0, 1, 1], [], []>, transpose_lhs_hint = false} : vector<1000x128xf32>, vector<128x128xf32>, vector<1000x128xf32> -> vector<1000x128xf32>
    %get3A_6 = arith.constant 0 : index
    %get3A_7 = arith.constant 0 : index
    %get3A_8 = vector.load %arg3[%get3A_6, %get3A_7] : memref<1x128xf32, #tpu.memory_space<vmem>>, vector<1x128xf32>
    %add3A = vector.broadcast %get3A_8 : vector<1x128xf32> to vector<1000x128xf32>
    %add3A_9 = arith.addf %dot_general3A_5, %add3A : vector<1000x128xf32>
    %get3A_10 = arith.constant 0 : index
    %get3A_11 = arith.constant 0 : index
    %get3A_12 = vector.load %arg4[%get3A_10, %get3A_11] : memref<128x128xf32, #tpu.memory_space<vmem>>, vector<128x128xf32>
    %dot_general3A_13 = arith.constant dense<0.000000e+00> : vector<1000x128xf32>
    %dot_general3A_14 = tpu.matmul %get3A_1, %get3A_12, %dot_general3A_13 {dimension_numbers = #tpu.dot_dimension_numbers<[1], [0], [0], [1], [0, 0, 1, 1], [], []>, transpose_lhs_hint = false} : vector<1000x128xf32>, vector<128x128xf32>, vector<1000x128xf32> -> vector<1000x128xf32>
    %get3A_15 = arith.constant 0 : index
    %get3A_16 = arith.constant 0 : index
    %get3A_17 = vector.load %arg5[%get3A_15, %get3A_16] : memref<1x128xf32, #tpu.memory_space<vmem>>, vector<1x128xf32>
    %add3A_18 = vector.broadcast %get3A_17 : vector<1x128xf32> to vector<1000x128xf32>
    %add3A_19 = arith.addf %dot_general3A_14, %add3A_18 : vector<1000x128xf32>
    %reduce_sum3A = arith.constant dense<0.000000e+00> : vector<1000xf32>
    %reduce_sum3A_20 = vector.multi_reduction <add>, %add3A_9, %reduce_sum3A [1] : vector<1000x128xf32> to vector<1000xf32>
    %broadcast_in_dim3A = vector.shape_cast %reduce_sum3A_20 : vector<1000xf32> to vector<1000x1xf32>
    %div3A = arith.constant 1.280000e+02 : f32
    %div3A_21 = vector.broadcast %div3A : f32 to vector<1000x1xf32>
    %div3A_22 = arith.divf %broadcast_in_dim3A, %div3A_21 : vector<1000x1xf32>
    %mul3A = arith.constant 1.000000e+00 : f32
    %mul3A_23 = vector.broadcast %mul3A : f32 to vector<1000x1xf32>
    %mul3A_24 = arith.mulf %mul3A_23, %div3A_22 : vector<1000x1xf32>
    %swap3A = arith.constant 0 : index
    %swap3A_25 = arith.constant 0 : index
    %swap3A_26 = vector.load %arg6[%swap3A, %swap3A_25] : memref<1000x128xf32, #tpu.memory_space<vmem>>, vector<1000x128xf32>
    tpu.vector_store %arg6[%swap3A, %swap3A_25], %add3A_9 {strides = array<i32>} : memref<1000x128xf32, #tpu.memory_space<vmem>>, vector<1000x128xf32>,
    %swap3A_27 = arith.constant 0 : index
    %swap3A_28 = arith.constant 0 : index
    %swap3A_29 = vector.load %arg7[%swap3A_27, %swap3A_28] : memref<1000x128xf32, #tpu.memory_space<vmem>>, vector<1000x128xf32>
    tpu.vector_store %arg7[%swap3A_27, %swap3A_28], %add3A_19 {strides = array<i32>} : memref<1000x128xf32, #tpu.memory_space<vmem>>, vector<1000x128xf32>,
    %swap3A_30 = arith.constant 0 : index
    %swap3A_31 = arith.constant 0 : index
    %swap3A_32 = vector.load %arg8[%swap3A_30, %swap3A_31] : memref<1000x1xf32, #tpu.memory_space<vmem>>, vector<1000x1xf32>
    tpu.vector_store %arg8[%swap3A_30, %swap3A_31], %mul3A_24 {strides = array<i32>} : memref<1000x1xf32, #tpu.memory_space<vmem>>, vector<1000x1xf32>,
    %eq3A = arith.constant 0 : i32
    %eq3A_33 = arith.cmpi eq, %arg0, %eq3A : i32
    %get3A_34 = arith.constant 0 : index
    %get3A_35 = arith.constant 0 : index
    %get3A_36 = memref.load %arg10[%get3A_34, %get3A_35] : memref<1x1xf32, #tpu.memory_space<smem>>
    %jit3A = arith.constant 0xFF800000 : f32
    %select_n3A = arith.select %eq3A_33, %jit3A, %get3A_36 : f32
    %reduce_max3A = vector.shape_cast %mul3A_24 : vector<1000x1xf32> to vector<1x1000x1xf32>
    %reduce_max3A_37 = arith.constant dense<0xFF800000> : vector<1xf32>
    %reduce_max3A_38 = vector.multi_reduction <maximumf>, %reduce_max3A, %reduce_max3A_37 [1, 2] : vector<1x1000x1xf32> to vector<1xf32>
    %reduce_max3A_39 = vector.shape_cast %reduce_max3A_38 : vector<1xf32> to vector<1x1x1xf32>
    %reduce_max3A_40 = vector.extract %reduce_max3A_39[0, 0, 0] : f32 from vector<1x1x1xf32>
    %max3A = arith.maximumf %select_n3A, %reduce_max3A_40 : f32
    %swap3A_41 = arith.constant 0 : index
    %swap3A_42 = arith.constant 0 : index
    %swap3A_43 = memref.load %arg10[%swap3A_41, %swap3A_42] : memref<1x1xf32, #tpu.memory_space<smem>>
    memref.store %max3A, %arg10[%swap3A_41, %swap3A_42] : memref<1x1xf32, #tpu.memory_space<smem>>
    %get3A_44 = arith.constant 0 : index
    %get3A_45 = arith.constant 0 : index
    %get3A_46 = memref.load %arg10[%get3A_44, %get3A_45] : memref<1x1xf32, #tpu.memory_space<smem>>
    %swap3A_47 = arith.constant 0 : index
    %swap3A_48 = arith.constant 0 : index
    %swap3A_49 = memref.load %arg9[%swap3A_47, %swap3A_48] : memref<1x1xf32, #tpu.memory_space<smem>>
    memref.store %get3A_46, %arg9[%swap3A_47, %swap3A_48] : memref<1x1xf32, #tpu.memory_space<smem>>
    return
  }
  func.func @transform_0(%arg0: i32) -> (i32, i32) {
    %c0_i32 = arith.constant 0 : i32
    %c0_i32_0 = arith.constant 0 : i32
    return %arg0, %c0_i32 : i32, i32
  }
  func.func @transform_1(%arg0: i32) -> (i32, i32) {
    %c0_i32 = arith.constant 0 : i32
    %c0_i32_0 = arith.constant 0 : i32
    %c0_i32_1 = arith.constant 0 : i32
    return %c0_i32, %c0_i32_0 : i32, i32
  }
  func.func @transform_2(%arg0: i32) -> (i32, i32) {
    %c0_i32 = arith.constant 0 : i32
    %c0_i32_0 = arith.constant 0 : i32
    %c0_i32_1 = arith.constant 0 : i32
    return %c0_i32, %c0_i32_0 : i32, i32
  }
  func.func @transform_3(%arg0: i32) -> (i32, i32) {
    %c0_i32 = arith.constant 0 : i32
    %c0_i32_0 = arith.constant 0 : i32
    %c0_i32_1 = arith.constant 0 : i32
    return %c0_i32, %c0_i32_0 : i32, i32
  }
  func.func @transform_4(%arg0: i32) -> (i32, i32) {
    %c0_i32 = arith.constant 0 : i32
    %c0_i32_0 = arith.constant 0 : i32
    %c0_i32_1 = arith.constant 0 : i32
    return %c0_i32, %c0_i32_0 : i32, i32
  }
  func.func @transform_5(%arg0: i32) -> (i32, i32) {
    %c0_i32 = arith.constant 0 : i32
    %c0_i32_0 = arith.constant 0 : i32
    return %arg0, %c0_i32 : i32, i32
  }
  func.func @transform_6(%arg0: i32) -> (i32, i32) {
    %c0_i32 = arith.constant 0 : i32
    %c0_i32_0 = arith.constant 0 : i32
    return %arg0, %c0_i32 : i32, i32
  }
  func.func @transform_7(%arg0: i32) -> (i32, i32) {
    %c0_i32 = arith.constant 0 : i32
    %c0_i32_0 = arith.constant 0 : i32
    return %arg0, %c0_i32 : i32, i32
  }
  func.func @transform_8(%arg0: i32) -> (i32, i32) {
    %c0_i32 = arith.constant 0 : i32
    %c0_i32_0 = arith.constant 0 : i32
    %c0_i32_1 = arith.constant 0 : i32
    return %c0_i32, %c0_i32_0 : i32, i32
  }
}

module attributes {stable_mosaic.version = 14 : i64} {
  func.func @_aug_body(%arg0: i32, %arg1: memref<1000x128xf32, #tpu.memory_space<vmem>>, %arg2: memref<1000x1xf32, #tpu.memory_space<vmem>>, %arg3: memref<1x1xf32, #tpu.memory_space<smem>>, %arg4: memref<1000x128xf32, #tpu.memory_space<vmem>>, %arg5: memref<1000x1xf32, #tpu.memory_space<vmem>>) attributes {dimension_semantics = [#tpu.dimension_semantics<arbitrary>], iteration_bounds = array<i64: 10>, scalar_prefetch = 0 : i64, scratch_operands = 0 : i64, tpu.core_type = #tpu.core_type<tc>, window_params = [{transform_indices = @transform_0, window_bounds = array<i64: 1000, 128>}, {transform_indices = @transform_1, window_bounds = array<i64: 1000, 1>}, {transform_indices = @transform_2, window_bounds = array<i64: 1, 1>}, {transform_indices = @transform_3, window_bounds = array<i64: 1000, 128>}, {transform_indices = @transform_4, window_bounds = array<i64: 1000, 1>}]} {
    %get3A = arith.constant 0 : index
    %get3A_0 = arith.constant 0 : index
    %get3A_1 = vector.load %arg2[%get3A, %get3A_0] : memref<1000x1xf32, #tpu.memory_space<vmem>>, vector<1000x1xf32>
    %get3A_2 = arith.constant 0 : index
    %get3A_3 = arith.constant 0 : index
    %get3A_4 = memref.load %arg3[%get3A_2, %get3A_3] : memref<1x1xf32, #tpu.memory_space<smem>>
    %sub3A = vector.broadcast %get3A_4 : f32 to vector<1000x1xf32>
    %sub3A_5 = arith.subf %get3A_1, %sub3A : vector<1000x1xf32>
    %exp3A = math.exp %sub3A_5 : vector<1000x1xf32>
    %get3A_6 = arith.constant 0 : index
    %get3A_7 = arith.constant 0 : index
    %get3A_8 = vector.load %arg1[%get3A_6, %get3A_7] : memref<1000x128xf32, #tpu.memory_space<vmem>>, vector<1000x128xf32>
    %mul3A = vector.broadcast %exp3A : vector<1000x1xf32> to vector<1000x128xf32>
    %mul3A_9 = arith.mulf %get3A_8, %mul3A : vector<1000x128xf32>
    %swap3A = arith.constant 0 : index
    %swap3A_10 = arith.constant 0 : index
    %swap3A_11 = vector.load %arg4[%swap3A, %swap3A_10] : memref<1000x128xf32, #tpu.memory_space<vmem>>, vector<1000x128xf32>
    tpu.vector_store %arg4[%swap3A, %swap3A_10], %mul3A_9 {strides = array<i32>} : memref<1000x128xf32, #tpu.memory_space<vmem>>, vector<1000x128xf32>,
    %swap3A_12 = arith.constant 0 : index
    %swap3A_13 = arith.constant 0 : index
    %swap3A_14 = vector.load %arg5[%swap3A_12, %swap3A_13] : memref<1000x1xf32, #tpu.memory_space<vmem>>, vector<1000x1xf32>
    tpu.vector_store %arg5[%swap3A_12, %swap3A_13], %exp3A {strides = array<i32>} : memref<1000x1xf32, #tpu.memory_space<vmem>>, vector<1000x1xf32>,
    return
  }
  func.func @transform_0(%arg0: i32) -> (i32, i32) {
    %c0_i32 = arith.constant 0 : i32
    %c0_i32_0 = arith.constant 0 : i32
    return %arg0, %c0_i32 : i32, i32
  }
  func.func @transform_1(%arg0: i32) -> (i32, i32) {
    %c0_i32 = arith.constant 0 : i32
    %c0_i32_0 = arith.constant 0 : i32
    return %arg0, %c0_i32 : i32, i32
  }
  func.func @transform_2(%arg0: i32) -> (i32, i32) {
    %c0_i32 = arith.constant 0 : i32
    %c0_i32_0 = arith.constant 0 : i32
    %c0_i32_1 = arith.constant 0 : i32
    return %c0_i32, %c0_i32_0 : i32, i32
  }
  func.func @transform_3(%arg0: i32) -> (i32, i32) {
    %c0_i32 = arith.constant 0 : i32
    %c0_i32_0 = arith.constant 0 : i32
    return %arg0, %c0_i32 : i32, i32
  }
  func.func @transform_4(%arg0: i32) -> (i32, i32) {
    %c0_i32 = arith.constant 0 : i32
    %c0_i32_0 = arith.constant 0 : i32
    return %arg0, %c0_i32 : i32, i32
  }
}

module attributes {stable_mosaic.version = 14 : i64} {
  func.func @_fin_body(%arg0: i32, %arg1: memref<2x1000x128xf32, #tpu.memory_space<vmem>>, %arg2: memref<1000x2xf32, #tpu.memory_space<vmem>>, %arg3: memref<1000x128xf32, #tpu.memory_space<vmem>>, %arg4: memref<1000x128xf32, #tpu.memory_space<vmem>>) attributes {dimension_semantics = [#tpu.dimension_semantics<arbitrary>], iteration_bounds = array<i64: 10>, scalar_prefetch = 0 : i64, scratch_operands = 0 : i64, tpu.core_type = #tpu.core_type<tc>, window_params = [{transform_indices = @transform_0, window_bounds = array<i64: 2, 1000, 128>}, {transform_indices = @transform_1, window_bounds = array<i64: 1000, 2>}, {transform_indices = @transform_2, window_bounds = array<i64: 1000, 128>}, {transform_indices = @transform_3, window_bounds = array<i64: 1000, 128>}]} {
    %get3A = arith.constant 0 : index
    %get3A_0 = arith.constant 0 : index
    %get3A_1 = arith.constant 0 : index
    %get3A_2 = vector.load %arg1[%get3A, %get3A_0, %get3A_1] : memref<2x1000x128xf32, #tpu.memory_space<vmem>>, vector<2x1000x128xf32>
    %slice3A = vector.extract_strided_slice %get3A_2 {offsets = [0, 0, 0], sizes = [1, 1000, 128], strides = [1, 1, 1]} : vector<2x1000x128xf32> to vector<1x1000x128xf32>
    %squeeze3A = vector.shape_cast %slice3A : vector<1x1000x128xf32> to vector<1000x128xf32>
    %slice3A_3 = vector.extract_strided_slice %get3A_2 {offsets = [1, 0, 0], sizes = [1, 1000, 128], strides = [1, 1, 1]} : vector<2x1000x128xf32> to vector<1x1000x128xf32>
    %squeeze3A_4 = vector.shape_cast %slice3A_3 : vector<1x1000x128xf32> to vector<1000x128xf32>
    %add3A = arith.addf %squeeze3A, %squeeze3A_4 : vector<1000x128xf32>
    %get3A_5 = arith.constant 0 : index
    %get3A_6 = arith.constant 0 : index
    %get3A_7 = vector.load %arg2[%get3A_5, %get3A_6] : memref<1000x2xf32, #tpu.memory_space<vmem>>, vector<1000x1xf32>
    %get3A_8 = arith.constant 0 : index
    %get3A_9 = arith.constant 1 : index
    %get3A_10 = vector.load %arg2[%get3A_8, %get3A_9] : memref<1000x2xf32, #tpu.memory_space<vmem>>, vector<1000x1xf32>
    %add3A_11 = arith.addf %get3A_7, %get3A_10 : vector<1000x1xf32>
    %gt3A = arith.constant 0.000000e+00 : f32
    %gt3A_12 = vector.broadcast %gt3A : f32 to vector<1000x1xf32>
    %gt3A_13 = arith.cmpf ogt, %add3A_11, %gt3A_12 : vector<1000x1xf32>
    %div3A = vector.broadcast %add3A_11 : vector<1000x1xf32> to vector<1000x128xf32>
    %div3A_14 = arith.divf %add3A, %div3A : vector<1000x128xf32>
    %jit3A = arith.constant 0.000000e+00 : f32
    %broadcast_in_dim3A = vector.shape_cast %gt3A_13 : vector<1000x1xi1> to vector<1000x1xi1>
    %broadcast_in_dim3A_15 = vector.broadcast %broadcast_in_dim3A : vector<1000x1xi1> to vector<1000x128xi1>
    %broadcast_in_dim3A_16 = vector.broadcast %jit3A : f32 to vector<1000x128xf32>
    %select_n3A = arith.select %broadcast_in_dim3A_15, %div3A_14, %broadcast_in_dim3A_16 : vector<1000x128xi1>, vector<1000x128xf32>
    %get3A_17 = arith.constant 0 : index
    %get3A_18 = arith.constant 0 : index
    %get3A_19 = vector.load %arg3[%get3A_17, %get3A_18] : memref<1000x128xf32, #tpu.memory_space<vmem>>, vector<1000x128xf32>
    %add3A_20 = arith.addf %select_n3A, %get3A_19 : vector<1000x128xf32>
    %swap3A = arith.constant 0 : index
    %swap3A_21 = arith.constant 0 : index
    %swap3A_22 = vector.load %arg4[%swap3A, %swap3A_21] : memref<1000x128xf32, #tpu.memory_space<vmem>>, vector<1000x128xf32>
    tpu.vector_store %arg4[%swap3A, %swap3A_21], %add3A_20 {strides = array<i32>} : memref<1000x128xf32, #tpu.memory_space<vmem>>, vector<1000x128xf32>,
    return
  }
  func.func @transform_0(%arg0: i32) -> (i32, i32, i32) {
    %c0_i32 = arith.constant 0 : i32
    %c0_i32_0 = arith.constant 0 : i32
    %c0_i32_1 = arith.constant 0 : i32
    return %c0_i32, %arg0, %c0_i32_0 : i32, i32, i32
  }
  func.func @transform_1(%arg0: i32) -> (i32, i32) {
    %c0_i32 = arith.constant 0 : i32
    %c0_i32_0 = arith.constant 0 : i32
    return %arg0, %c0_i32 : i32, i32
  }
  func.func @transform_2(%arg0: i32) -> (i32, i32) {
    %c0_i32 = arith.constant 0 : i32
    %c0_i32_0 = arith.constant 0 : i32
    return %arg0, %c0_i32 : i32, i32
  }
  func.func @transform_3(%arg0: i32) -> (i32, i32) {
    %c0_i32 = arith.constant 0 : i32
    %c0_i32_0 = arith.constant 0 : i32
    return %arg0, %c0_i32 : i32, i32
  }
}

</mosaic_0001>

<sc_bundles>
// kernel: kernel.6.cloned.1.call-start
scs
__scs_entry_jumppad:
0x0: {  	(pc) =	sbr.rel $0x88, $3  }
0x1: {  	(tag) =	ssettag $0x0;
	lr =	simm.s32 $0x1  }
0x2: {  	[smem:$0x3F9B] =	sst lr;
	_ =	strace $0xD0000000  }
0x3: {  	_ = 	snop  }
0x4: {  	_ = 	snop  }
0x5: {  	_ = 	snop  }
0x6: {  	_ = 	snop  }
0x7: {  	_ = 	snop  }
__scs_overlays_trampoline_lowered:
0x8: {  	[smem:$0x3FAA] =	sst s0  }
0x9: {  	[smem:$0x3FAB] =	sst s1  }
0xa: {  	[smem:$0x3FAC] =	sst s2  }
0xb: {  	[smem:$0x3FAD] =	sst s3  }
0xc: {  	[smem:$0x3FAE] =	sst s4  }
0xd: {  	[smem:$0x3FAF] =	sst s5  }
0xe: {  	[smem:$0x3FB0] =	sst s6  }
0xf: {  	[smem:$0x3FB1] =	sst s7  }
0x10: {  	[smem:$0x3FB2] =	sst s8  }
0x11: {  	[smem:$0x3FB3] =	sst s9;
	s0 =	simm.s32 @!p0 $0x0  }
0x12: {  	s1 =	sld [smem:$0x3F99];
	s0 =	simm.s32 @p0 $0x1  }
0x13: {  	[smem:$0x3FB4] =	sst s0;
	s0 =	simm.s32 @!p1 $0x0  }
0x14: {  	s2 =	sld [smem:$0x3F98];
	s0 =	simm.s32 @p1 $0x1  }
0x15: {  	[smem:$0x3FB5] =	sst s0;
	s0 =	simm.s32 @!p2 $0x0  }
0x16: {  	s3 =	sld [smem:$0x3FDB];
	s0 =	simm.s32 @p2 $0x1  }
0x17: {  	s4 =	simm.s32 $0x1BF5;
	[smem:$0x3FB7] =	sst s0  }
0x18: {  	s0 =	sld [smem:$0x3F9A];
	_ =	swait.ge [sflag:s4], $0x0  }
0x19: {  	s7 =	sld [smem:$0x3F9B]  }
0x1a: {  	s8 =	sadd.s32 $0xFFFFE003, lr  }
0x1b: {  	s9 =	sadd.s32 $0xFFFFFEF7, lr;
	s5 =	simm.s32 $0xFFFFFFFF;
	p2 =	slt.u32 s8, $0xFFFFF086  }
0x1c: {  	p1 =	slt.u32 s9, $0xF7A;
	s5 =	simm.s32 @!p2 $0x0  }
0x1d: {  	s5 =	simm.s32 @p1 $0x1;
	p0 =	seq.s32 s7, s2  }
0x1e: {  	s7 =	smul.u32 @!p0 $0xF7A, s2;
	p2 =	seq.s32 @!p0 s5, $0x0  }
0x1f: {  	s9 =	smul.u32 $0xF7A, s1;
	s8 =	simm.s32 @!p0 $0x1BF5;
	p2 =	por !p2, p0  }
0x20: {  	[sflag:s8] =	ssyncset.s32 @!p0 $0xFFFFF086;
	s6 =	sadd.s32 @!p0 s3, s7;
	s7 =	simm.s32 @!p0 $0x108  }
0x21: {  	s3 =	sadd.s32 s3, s9;
	s6 =	sadd.s32 @!p0 $0x88, s6;
	s7 =	simm.s32 @p2 $0x1082  }
0x22: {  	[simem:s7], [sflag:s8] =	dma.local @!p0 [hbm:s6], $0xF7A  }
0x23: {  	s9 =	sor.u32 $0xD0000000, s2;
	s6 =	simm.s32 $0x108;
	_ =	swait.ge @!p0 [sflag:s8], $0x0  }
0x24: {  	s3 =	sadd.s32 $0x88, s3;
	s6 =	simm.s32 @!p1 $0x1082;
	[sflag:s4] =	ssyncset.s32 $0xFFFFF086  }
0x25: {  	[simem:s6], [sflag:s4] =	dma.local [hbm:s3], $0xF7A  }
0x26: {  	[smem:$0x3F9B] =	sst s1;
	(tag) =	ssettag s2;
	_ =	strace s9  }
0x27: {  	s1 =	sld [smem:$0x3FAB]  }
0x28: {  	s2 =	sld [smem:$0x3FAC]  }
0x29: {  	s4 =	sld [smem:$0x3FAE]  }
0x2a: {  	p0 =	seq.s32 s5, $0x0;
	s5 =	sld [smem:$0x3FAF]  }
0x2b: {  	s6 =	sld [smem:$0x3FB0]  }
0x2c: {  	s7 =	sld [smem:$0x3FB1]  }
0x2d: {  	s3 =	simm.s32 $0x108;
	s8 =	sld [smem:$0x3FB2]  }
0x2e: {  	s3 =	simm.s32 @!p0 $0x1082;
	s9 =	sld [smem:$0x3FB3]  }
0x2f: {  	lr =	sadd.s32 s0, s3;
	s0 =	sld [smem:$0x3FAA]  }
0x30: {  	s3 =	sld [smem:$0x3FAD]  }
0x31: {  	[smem:$0x3FB6] =	sst s10  }
0x32: {  	s10 =	sld [smem:$0x3FB4];
	_ =	sdelay $0x3  }
0x33: {  	p0 =	seq.s32 s10, $0x1;
	s10 =	sld [smem:$0x3FB6];
	_ =	sdelay $0x3  }
0x34: {  	[smem:$0x3FB6] =	sst s10  }
0x35: {  	s10 =	sld [smem:$0x3FB5];
	_ =	sdelay $0x3  }
0x36: {  	p1 =	seq.s32 s10, $0x1;
	s10 =	sld [smem:$0x3FB6];
	_ =	sdelay $0x3  }
0x37: {  	[smem:$0x3FB6] =	sst s10  }
0x38: {  	s10 =	sld [smem:$0x3FB7]  }
0x39: {  	_ = 	snop;
	(pc) =	sbr.ind lr, $3  }
0x3a: {  	_ = 	snop  }
0x3b: {  	_ = 	snop  }
0x3c: {  	p2 =	seq.s32 s10, $0x1;
	s10 =	sld [smem:$0x3FB6]  }
0x3d: {  	_ =	shalt  }
0x3e: {  	_ =	shalt  }
0x3f: {  	_ =	shalt  }
0x40: {  	_ =	shalt  }
0x41: {  	_ =	shalt  }
0x42: {  	_ =	shalt  }
0x43: {  	_ =	shalt  }
0x44: {  	_ =	shalt  }
0x45: {  	_ =	shalt  }
0x46: {  	_ =	shalt  }
0x47: {  	_ =	shalt  }
0x48: {  	_ =	shalt  }
0x49: {  	_ =	shalt  }
0x4a: {  	_ =	shalt  }
0x4b: {  	_ =	shalt  }
0x4c: {  	_ =	shalt  }
0x4d: {  	_ =	shalt  }
0x4e: {  	_ =	shalt  }
0x4f: {  	_ =	shalt  }
0x50: {  	_ =	shalt  }
0x51: {  	_ =	shalt  }
0x52: {  	_ =	shalt  }
0x53: {  	_ =	shalt  }
0x54: {  	_ =	shalt  }
0x55: {  	_ =	shalt  }
0x56: {  	_ =	shalt  }
0x57: {  	_ =	shalt  }
0x58: {  	_ =	shalt  }
0x59: {  	_ =	shalt  }
0x5a: {  	_ =	shalt  }
0x5b: {  	_ =	shalt  }
0x5c: {  	_ =	shalt  }
0x5d: {  	_ =	shalt  }
0x5e: {  	_ =	shalt  }
0x5f: {  	_ =	shalt  }
0x60: {  	_ =	shalt  }
0x61: {  	_ =	shalt  }
0x62: {  	_ =	shalt  }
0x63: {  	_ =	shalt  }
0x64: {  	_ =	shalt  }
0x65: {  	_ =	shalt  }
0x66: {  	_ =	shalt  }
0x67: {  	_ =	shalt  }
0x68: {  	_ =	shalt  }
0x69: {  	_ =	shalt  }
0x6a: {  	_ =	shalt  }
0x6b: {  	_ =	shalt  }
0x6c: {  	_ =	shalt  }
0x6d: {  	_ =	shalt  }
0x6e: {  	_ =	shalt  }
0x6f: {  	_ =	shalt  }
0x70: {  	_ =	shalt  }
0x71: {  	_ =	shalt  }
0x72: {  	_ =	shalt  }
0x73: {  	_ =	shalt  }
0x74: {  	_ =	shalt  }
0x75: {  	_ =	shalt  }
0x76: {  	_ =	shalt  }
0x77: {  	_ =	shalt  }
0x78: {  	_ =	shalt  }
0x79: {  	_ =	shalt  }
0x7a: {  	_ =	shalt  }
0x7b: {  	_ =	shalt  }
0x7c: {  	_ =	shalt  }
0x7d: {  	_ =	shalt  }
0x7e: {  	_ =	shalt  }
0x7f: {  	_ =	shalt  }
0x80: {  	_ =	shalt  }
0x81: {  	_ =	shalt  }
0x82: {  	_ =	shalt  }
0x83: {  	_ =	shalt  }
0x84: {  	_ =	shalt  }
0x85: {  	_ =	shalt  }
0x86: {  	_ =	shalt  }
0x87: {  	_ =	shalt  }
.Lfunc_end0:
.L_simem_size_0:
called_computation_lowered:
.L_overlay_start_0:
0x88: {  	s2 =	sld [smem:$0x3FD9]  }
0x89: {  	s3 =	sld [smem:$0x3FFE];
	_ =	sdelay $0x1  }
0x8a: {  	s1 =	srdreg.scid  }
0x8b: {  	s0 =	sand.u32 $0x1, s1  }
0x8c: {  	s17 =	sshll.u32 s0, $0xA;
	s2 =	sadd.s32 s3, s2  }
0x8d: {  	s2 =	sadd.s32 s2, s17  }
0x8e: {  	[smem:$0x3FC2] =	sst s2  }
0x8f: {  	_ = 	snop  }
0x90: {  	s2 =	sld [smem:$0x3FD0];
	(tm) =	ssettm $0x1  }
0x91: {  	s18 =	sld [smem:$0x3FFB];
	_ =	sdelay $0x3  }
0x92: {  	_ =	strace s18  }
0x93: {  	s3 =	sld [smem:$0x3FFC];
	_ =	sdelay $0x3  }
0x94: {  	_ =	strace s3  }
0x95: {  	s3 =	sld [smem:$0x3FFD];
	_ =	sdelay $0x3  }
0x96: {  	_ =	strace s3  }
0x97: {  	_ =	strace $0x8FFFFFFF  }
0x98: {  	s19 =	sld [smem:$0x3FDB];
	_ =	sdelay $0x1  }
0x99: {  	s4 =	simm.s32 $_scs_section_size  }
0x9a: {  	s5 =	simm.s32 $_size__tile_overlayer_lowered;
	s6 =	simm.s32 $_tile_overlayer_lowered  }
0x9b: {  	s22 =	simm.s32 $0x1BFF;
	s21 =	sshll.u32 s6, $0x1;
	s3 =	sadd.s32 s4, s19  }
0x9c: {  	s7 =	simm.s32 $0x0;
	s20 =	sshll.u32 s5, $0x1;
	s5 =	sadd.s32 s21, s3  }
0x9d: {  	[timem:s7], [sflag:s22] =	dma.local [hbm:s5], s20  }
0x9e: {  	_ =	swait.ge [sflag:s22], s20  }
0x9f: {  	s4 =	ssub.s32 $0x0, s20;
	[sflag:s22] =	ssyncset.done $0x0  }
0xa0: {  	[sflag:s22] =	ssyncadd.s32 s4;
	_ =	sdelay $0x1  }
0xa1: {  	s23 =	simm.s32 $0x1B8B  }
0xa2: {  	_ =	swait.ge [sflag:s23], $0x1  }
0xa3: {  	[sflag:s23] =	ssyncset.done $0x0  }
0xa4: {  	s25 =	simm.s32 $0x1B8E;
	s24 =	sld [smem:$0x3FFE];
	[sflag:s23] =	ssyncadd.s32 $0xFFFFFFFF  }
0xa5: {  	s26 =	simm.s32 $execute0_lowered;
	[smem:$0x3FD2] =	sst s25  }
0xa6: {  	s5 =	sshll.u32 s26, $0x1;
	_ =	strace $0x80000046;
	[dreg:$0x1] =	wrdreg $0xFFFFFFFF  }
0xa7: {  	s28 =	simm.s32 $_size_execute0_lowered;
	s3 =	sadd.s32 s3, s5;
	[dreg:$0x0] =	wrdreg $0x0  }
0xa8: {  	s5 =	sshll.u32 s28, $0x1;
	[dreg:$0x2] =	wrdreg s3  }
0xa9: {  	[dreg:$0x3] =	wrdreg s5  }
0xaa: {  	[dreg:$0x4] =	wrdreg $0xC0  }
0xab: {  	_ =	task [dreg:s7], $0x5FFFF  }
0xac: {  	[dreg:$0x1] =	wrdreg $0xFFFFFFFF  }
0xad: {  	[dreg:$0x0] =	wrdreg $0x60  }
0xae: {  	[dreg:$0x2] =	wrdreg s24  }
0xaf: {  	[dreg:$0x3] =	wrdreg s2  }
0xb0: {  	[dreg:$0x4] =	wrdreg $0xB8800  }
0xb1: {  	[dreg:$0x5] =	wrdreg $0x1F4800  }
0xb2: {  	[dreg:$0x6] =	wrdreg $0x9  }
0xb3: {  	_ =	task.clear_ibuf [dreg:s7], $0x7FFFF;
	_ =	strace $0x90000046  }
0xb4: {  	s29 =	simm.s32 $0x9;
	_ =	strace $0x80000048  }
0xb5: {  	_ =	swait.ge [sflag:s29], $0x1  }
0xb6: {  	[sflag:s29] =	ssyncadd.s32 $0xFFFFFFFF  }
0xb7: {  	_ =	strace $0x90000048  }
0xb8: {  	_ =	sfence  }
0xb9: {  	s30 =	sld [smem:$0x0];
	_ =	sdelay $0x2  }
0xba: {  	s31 =	sshll.u32 s1, $0xD;
	s1 =	sshrl.u32 s1, $0x2  }
0xbb: {  	s3 =	sand.u32 $0x4000, s31;
	s1 =	sadd.s32 s1, s30  }
0xbc: {  	s0 =	sor.u32 s3, s0;
	s1 =	sshll.u32 s1, $0x11  }
0xbd: {  	s0 =	sor.u32 s1, s0  }
0xbe: {  	s0 =	sadd.s32 $0x8F2B, s0  }
0xbf: {  	[sflag:s0] =	ssyncadd.remote.s32 $0x1  }
0xc0: {  	_ =	sfence.sel $0xFFFF  }
0xc1: {  	[dreg:$0x0] =	wrdreg $0xFFFFFFFF;
	(pc) =	sbr.abs _section_cstart, $3  }
0xc2: {  	[dreg:$0x1] =	wrdreg $0xFFFFFFFF  }
0xc3: {  	_ =	task.clear_ibuf [dreg:s7], $0x2FFFF;
	_ =	strace $0x9FFFFFFF  }
0xc4: {  	(tm) =	ssettm $0x7FFFFFFF  }
0xc5: {  	_ =	shalt  }
tec
execute0_lowered:
.L_overlay_start_1:
0x0: {  	(tag) =	ssettag $0x1  }
0x1: {  	s1 =	rddreg [dreg:$0x0]  }
0x2: {  	s0 =	rddreg [dreg:$0x1]  }
0x3: {  	s2 =	srdreg.scid;
	s3 =	rddreg [dreg:$0x2]  }
0x4: {  	s4 =	rddreg [dreg:$0x3];
	s21 =	stileid.u32;
	s5 =	simm.s32 $0x0  }
0x5: {  	s31 =	simm.s32 $0x9100;
	s2 =	sand.u32 $0x1, s2;
	[smem:$0x7FF] =	sst s5  }
0x6: {  	s9 =	sadd.s32 $0xC00, s1;
	s25 =	sshll.u32 s21, $0xE;
	s26 =	sor.u32 $0x10, s21  }
0x7: {  	s11 =	sshll.u32 s21, $0xB;
	s12 =	sshll.u32 s21, $0x5;
	p0 =	seq.s32 s21, $0xF  }
0x8: {  	s6 =	sshll.u32 s2, $0x4;
	_ =	strace $0x80000047;
	s8 =	smul.u32 $0x27800, s2  }
0x9: {  	[dreg:$0x5] =	wrdreg s9;
	s2 =	ssub.s32 $0x2, s2;
	s10 =	sadd.s32 s25, s3  }
0xa: {  	s9 =	sor.u32 $0x40, s21;
	s13 =	sshll.u32 s26, $0xB;
	s7 =	sor.u32 s21, s6  }
0xb: {  	s17 =	sshll.u32 s26, $0x5;
	s22 =	sshrl.u32 s2, $0x1;
	s7 =	smul.u32 $0x500, s7  }
0xc: {  	s25 =	sshll.u32 s26, $0xE;
	s16 =	sshll.u32 s9, $0xB;
	s2 =	ssub.s32 s2, s22  }
0xd: {  	s8 =	sadd.s32 s8, s1;
	s2 =	smax.u32 s2, $0x1;
	s7 =	sadd.s32 s7, s1  }
0xe: {  	s1 =	sadd.s32 s6, s1;
	s6 =	sadd.s32 $0x15C00, s8;
	[dreg:$0x8] =	wrdreg s2  }
0xf: {  	s8 =	sor.u32 $0x30, s21;
	s2 =	sshll.u32 s26, $0x7;
	s26 =	sshll.u32 s21, $0x7  }
0x10: {  	s23 =	sadd.s32 $0xB200, s7;
	s24 =	sadd.s32 $0x1200, s7;
	s1 =	sadd.s32 $0x15200, s1  }
0x11: {  	s7 =	sor.u32 $0x20, s21;
	s15 =	sshll.u32 s8, $0xB;
	s19 =	sshll.u32 s8, $0x5  }
0x12: {  	s11 =	sadd.s32 s11, s6;
	s22 =	sadd.s32 s13, s6;
	[dreg:$0x6] =	wrdreg s23  }
0x13: {  	s21 =	sadd.s32 s26, s4;
	s13 =	sshll.u32 s8, $0x7;
	[dreg:$0x7] =	wrdreg s24  }
0x14: {  	s14 =	sshll.u32 s7, $0xB;
	s18 =	sshll.u32 s7, $0x5;
	[dreg:$0x9] =	wrdreg s11  }
0x15: {  	[dreg:$0xa] =	wrdreg s22;
	s24 =	sadd.s32 s15, s6;
	s17 =	sadd.s32 s17, s1  }
0x16: {  	s19 =	sadd.s32 s19, s1;
	s22 =	sadd.s32 s25, s3;
	s11 =	sshll.u32 s7, $0x7  }
0x17: {  	s15 =	sshll.u32 s9, $0x7;
	s28 =	sadd.s32 s13, s4;
	s23 =	sadd.s32 s14, s6  }
0x18: {  	[dreg:$0xc] =	wrdreg s24;
	s6 =	sadd.s32 @!p0 s16, s6;
	s16 =	sadd.s32 s12, s1  }
0x19: {  	s18 =	sadd.s32 s18, s1;
	s12 =	sshll.u32 s8, $0xE;
	s25 =	sadd.s32 s11, s4  }
0x1a: {  	s14 =	sshll.u32 s9, $0xE;
	s30 =	sadd.s32 s15, s4;
	[dreg:$0xb] =	wrdreg s23  }
0x1b: {  	s8 =	simm.s32 $0x80;
	s11 =	simm.s32 $0x0;
	[dreg:$0xd] =	wrdreg s6  }
0x1c: {  	s6 =	sshll.u32 s9, $0x5;
	s23 =	sadd.s32 s2, s4;
	s26 =	sadd.s32 s12, s3  }
0x1d: {  	s29 =	sadd.s32 s14, s3;
	s2 =	simm.s32 $0x5100;
	s9 =	simm.s32 $0x5000  }
0x1e: {  	s20 =	sadd.s32 @!p0 s6, s1;
	s6 =	sshll.u32 s7, $0xE;
	s1 =	simm.s32 $0x1  }
0x1f: {  	v0 =	vimm.f32 $0.0e+00;
	s7 =	simm.s32 $0x5080;
	s24 =	sadd.s32 s6, s3;
	s6 =	simm.s32 $0x2  }
.LBB2_1:
0x20: {  	s12 =	rddreg [dreg:$0x5]  }
0x21: {  	[tilespmem:s31], [sflag:$0x1] =	stream.linear.gather [hbm4b:s12+s5], $0x2780, $0x38;
	[tilespmem:$0x1F6F8] =	vst v63  }
0x22: {  	_ =	swait.ge [sflag:s1], $0x2780  }
0x23: {  	[sflag:s1] =	ssyncset.done $0x0  }
0x24: {  	s14 =	rddreg [dreg:$0x6];
	[sflag:s1] =	ssyncadd.s32 $0xFFFFD880  }
0x25: {  	[tilespmem:s5], [sflag:$0x1] =	stream.linear.gather [hbm4b:s14+s5], $0x2800, $0x38;
	[tilespmem:$0x1F6F8] =	vst v63  }
0x26: {  	_ =	swait.ge [sflag:s1], $0x2800  }
0x27: {  	[sflag:s1] =	ssyncset.done $0x0  }
0x28: {  	s13 =	simm.s32 $0x2800;
	s15 =	rddreg [dreg:$0x7];
	[sflag:s1] =	ssyncadd.s32 $0xFFFFD800  }
0x29: {  	[tilespmem:s13], [sflag:$0x1] =	stream.linear.gather [hbm4b:s15+s5], $0x2800, $0x38;
	[tilespmem:$0x1F6F8] =	vst v63  }
0x2a: {  	_ =	swait.ge [sflag:s1], $0x2800  }
0x2b: {  	[sflag:s1] =	ssyncset.done $0x0  }
0x2c: {  	s12 =	simm.s32 $0x0;
	s13 =	simm.s32 $0x200;
	[sflag:s1] =	ssyncadd.s32 $0xFFFFD800  }
.LBB2_2:
0x2d: {  	p1 =	sne.s32 s13, $0xFE00;
	[tilespmem:s12+$0x5170] =	vst v0  }
0x2e: {  	[tilespmem:s12+$0x5100] =	vst v0  }
0x2f: {  	[tilespmem:s12+$0x5110] =	vst v0  }
.Ltmp0:
0x30: {  	[tilespmem:s12+$0x5120] =	vst v0;
	(pc) =	sbr.rel @p1 .LBB2_2-.Ltmp0, $4  }
0x31: {  	[tilespmem:s12+$0x5130] =	vst v0  }
0x32: {  	[tilespmem:s12+$0x5140] =	vst v0  }
0x33: {  	[tilespmem:s12+$0x5150] =	vst v0  }
0x34: {  	[tilespmem:s12+$0x5160] =	vst v0;
	s12 =	sshra.s32 s13, $0x2;
	s13 =	sadd.s32 $0x200, s13  }
0x35: {  	[tilespmem:s12+$0x5170] =	vst v0  }
0x36: {  	[tilespmem:s12+$0x5100] =	vst v0  }
0x37: {  	[tilespmem:s12+$0x5110] =	vst v0  }
0x38: {  	[tilespmem:s12+$0x5120] =	vst v0  }
0x39: {  	[tilespmem:s12+$0x5130] =	vst v0  }
0x3a: {  	[tilespmem:s12+$0x5140] =	vst v0  }
0x3b: {  	[tilespmem:s12+$0x5150] =	vst v0  }
0x3c: {  	[tilespmem:s12+$0x5160] =	vst v0  }
0x3d: {  	[tilespmem:$0x5080] =	vst v0  }
0x3e: {  	[tilespmem:$0x5090] =	vst v0  }
0x3f: {  	[tilespmem:$0x50A0] =	vst v0  }
0x40: {  	[tilespmem:$0x50B0] =	vst v0  }
0x41: {  	[tilespmem:$0x50C0] =	vst v0  }
0x42: {  	[tilespmem:$0x50D0] =	vst v0  }
0x43: {  	[tilespmem:$0x50E0] =	vst v0  }
0x44: {  	[tilespmem:$0x50F0] =	vst v0  }
0x45: {  	[spmem:s10] =	stream.linear.scatter [tilespmem:s2], [sflag:$0x2], $0x4000, $0x38;
	[tilespmem:$0x1F6F8] =	vst v63  }
0x46: {  	_ =	swait.ge [sflag:s6], $0x4000  }
0x47: {  	[sflag:s6] =	ssyncset.done $0x0  }
0x48: {  	[sflag:s6] =	ssyncadd.s32 $0xFFFFC000  }
0x49: {  	[spmem:s21] =	stream.linear.scatter [tilespmem:s7], [sflag:$0x1], $0x80, $0x38;
	[tilespmem:$0x1F6F8] =	vst v63  }
0x4a: {  	_ =	swait.ge [sflag:s1], $0x80  }
0x4b: {  	[sflag:s1] =	ssyncset.done $0x0  }
0x4c: {  	[sflag:s1] =	ssyncadd.s32 $0xFFFFFF80  }
0x4d: {  	[spmem:s22] =	stream.linear.scatter [tilespmem:s2], [sflag:$0x2], $0x4000, $0x38;
	[tilespmem:$0x1F6F8] =	vst v63  }
0x4e: {  	_ =	swait.ge [sflag:s6], $0x4000  }
0x4f: {  	[sflag:s6] =	ssyncset.done $0x0  }
0x50: {  	[sflag:s6] =	ssyncadd.s32 $0xFFFFC000  }
0x51: {  	[spmem:s23] =	stream.linear.scatter [tilespmem:s7], [sflag:$0x1], $0x80, $0x38;
	[tilespmem:$0x1F6F8] =	vst v63  }
0x52: {  	_ =	swait.ge [sflag:s1], $0x80  }
0x53: {  	[sflag:s1] =	ssyncset.done $0x0  }
0x54: {  	[sflag:s1] =	ssyncadd.s32 $0xFFFFFF80  }
0x55: {  	[spmem:s24] =	stream.linear.scatter [tilespmem:s2], [sflag:$0x2], $0x4000, $0x38;
	[tilespmem:$0x1F6F8] =	vst v63  }
0x56: {  	_ =	swait.ge [sflag:s6], $0x4000  }
0x57: {  	[sflag:s6] =	ssyncset.done $0x0  }
0x58: {  	[sflag:s6] =	ssyncadd.s32 $0xFFFFC000  }
0x59: {  	[spmem:s25] =	stream.linear.scatter [tilespmem:s7], [sflag:$0x1], $0x80, $0x38;
	[tilespmem:$0x1F6F8] =	vst v63  }
0x5a: {  	_ =	swait.ge [sflag:s1], $0x80  }
0x5b: {  	[sflag:s1] =	ssyncset.done $0x0  }
0x5c: {  	[sflag:s1] =	ssyncadd.s32 $0xFFFFFF80  }
0x5d: {  	[spmem:s26] =	stream.linear.scatter [tilespmem:s2], [sflag:$0x2], $0x4000, $0x38;
	[tilespmem:$0x1F6F8] =	vst v63  }
0x5e: {  	_ =	swait.ge [sflag:s6], $0x4000  }
0x5f: {  	[sflag:s6] =	ssyncset.done $0x0  }
0x60: {  	[sflag:s6] =	ssyncadd.s32 $0xFFFFC000  }
0x61: {  	[spmem:s28] =	stream.linear.scatter [tilespmem:s7], [sflag:$0x1], $0x80, $0x38;
	[tilespmem:$0x1F6F8] =	vst v63  }
0x62: {  	_ =	swait.ge [sflag:s1], $0x80  }
0x63: {  	[sflag:s1] =	ssyncset.done $0x0  }
0x64: {  	s12 =	simm.s32 @!p0 $0x5100;
	[sflag:s1] =	ssyncadd.s32 $0xFFFFFF80  }
0x65: {  	[spmem:s29] =	stream.linear.scatter @!p0 [tilespmem:s12], [sflag:$0x2], $0x4000, $0x38;
	[tilespmem:$0x1F6F8] =	vst v63  }
0x66: {  	s12 =	simm.s32 @!p0 $0x2  }
0x67: {  	_ =	swait.ge @!p0 [sflag:s12], $0x4000  }
0x68: {  	[sflag:s12] =	ssyncset.done @!p0 $0x0  }
0x69: {  	[sflag:s12] =	ssyncadd.s32 @!p0 $0xFFFFC000;
	s12 =	simm.s32 @!p0 $0x5080  }
0x6a: {  	[spmem:s30] =	stream.linear.scatter @!p0 [tilespmem:s12], [sflag:$0x1], $0x80, $0x38;
	[tilespmem:$0x1F6F8] =	vst v63  }
0x6b: {  	s12 =	simm.s32 @!p0 $0x1  }
0x6c: {  	_ =	swait.ge @!p0 [sflag:s12], $0x80  }
0x6d: {  	[sflag:s12] =	ssyncset.done @!p0 $0x0  }
0x6e: {  	[sflag:s12] =	ssyncadd.s32 @!p0 $0xFFFFFF80  }
0x6f: {  	s12 =	simm.s32 $0x0;
	[bflag:$0x0] =	sbarrier.arrive $0xFFFF  }
.LBB2_4:
0x70: {  	s13 =	sshra.s32 s12, $0x2  }
0x71: {  	[tilespmem:s2], [sflag:$0x1] =	stream.indirect.gather [hbm4b:s0+s8], $0x80, s13, s8, $0xb8;
	[tilespmem:$0x1F6F8] =	vst v63  }
0x72: {  	_ =	swait.ge [sflag:s1], $0x4000  }
0x73: {  	[sflag:s1] =	ssyncset.done $0x0  }
0x74: {  	s14 =	sadd.s32 $0x2800, s13;
	[sflag:s1] =	ssyncadd.s32 $0xFFFFC000  }
0x75: {  	[spmem:s3] =	stream.indirect.scatter.add.f32 [tilespmem:s2], [sflag:$0x1], $0x80, s14, s8, $0xb8;
	[tilespmem:$0x1F6F8] =	vst v63  }
0x76: {  	_ =	swait.ge [sflag:s1], $0x4000  }
0x77: {  	[sflag:s1] =	ssyncset.done $0x0  }
0x78: {  	[sflag:s1] =	ssyncadd.s32 $0xFFFFC000  }
0x79: {  	v1 =	vld [tilespmem:s13+$0x0];
	_ =	sdelay $0x7  }
0x7a: {  	v1 =	vld.idx.msk [tilespmem:v1+s31+$0x0], $0xffff;
	_ =	sdelay $0x4  }
0x7b: {  	[tilespmem:$0x5000] =	vst v1  }
0x7c: {  	v1 =	vld [tilespmem:s13+$0x10];
	_ =	sdelay $0x7  }
0x7d: {  	v1 =	vld.idx.msk [tilespmem:v1+s31+$0x0], $0xffff;
	_ =	sdelay $0x4  }
0x7e: {  	[tilespmem:$0x5010] =	vst v1  }
0x7f: {  	v1 =	vld [tilespmem:s13+$0x20];
	_ =	sdelay $0x7  }
0x80: {  	v1 =	vld.idx.msk [tilespmem:v1+s31+$0x0], $0xffff;
	_ =	sdelay $0x4  }
0x81: {  	[tilespmem:$0x5020] =	vst v1  }
0x82: {  	v1 =	vld [tilespmem:s13+$0x30];
	_ =	sdelay $0x7  }
0x83: {  	v1 =	vld.idx.msk [tilespmem:v1+s31+$0x0], $0xffff;
	_ =	sdelay $0x4  }
0x84: {  	[tilespmem:$0x5030] =	vst v1  }
0x85: {  	v1 =	vld [tilespmem:s13+$0x40];
	_ =	sdelay $0x7  }
0x86: {  	v1 =	vld.idx.msk [tilespmem:v1+s31+$0x0], $0xffff;
	_ =	sdelay $0x4  }
0x87: {  	[tilespmem:$0x5040] =	vst v1  }
0x88: {  	v1 =	vld [tilespmem:s13+$0x50];
	_ =	sdelay $0x7  }
0x89: {  	v1 =	vld.idx.msk [tilespmem:v1+s31+$0x0], $0xffff;
	_ =	sdelay $0x4  }
0x8a: {  	[tilespmem:$0x5050] =	vst v1  }
0x8b: {  	v1 =	vld [tilespmem:s13+$0x60];
	_ =	sdelay $0x7  }
0x8c: {  	v1 =	vld.idx.msk [tilespmem:v1+s31+$0x0], $0xffff;
	_ =	sdelay $0x4  }
0x8d: {  	[tilespmem:$0x5060] =	vst v1  }
0x8e: {  	v1 =	vld [tilespmem:s13+$0x70];
	_ =	sdelay $0x7  }
0x8f: {  	v1 =	vld.idx.msk [tilespmem:v1+s31+$0x0], $0xffff;
	_ =	sdelay $0x3  }
0x90: {  	p1 =	sne.s32 s12, $0x9E00  }
.Ltmp1:
0x91: {  	[tilespmem:$0x5070] =	vst v1;
	(pc) =	sbr.rel @p1 .LBB2_4-.Ltmp1, $4  }
0x92: {  	[spmem:s4] =	stream.indirect.scatter.add.f32 [tilespmem:s9], [sflag:$0x1], $0x1, s14, s8, $0xb8;
	[tilespmem:$0x1F6F8] =	vst v63  }
0x93: {  	_ =	swait.ge [sflag:s1], $0x80  }
0x94: {  	[sflag:s1] =	ssyncset.done $0x0  }
0x95: {  	s12 =	sadd.s32 $0x200, s12;
	[sflag:s1] =	ssyncadd.s32 $0xFFFFFF80  }
0x96: {  	s12 =	stileid.u32  }
0x97: {  	[bflag:$0x0] =	sbarrier.arrive $0xFFFF;
	s12 =	sshll.u32 s12, $0x6  }
0x98: {  	s14 =	sshrl.u32 s10, $0x3;
	s15 =	rddreg [dreg:$0x9];
	s13 =	sor.u32 $0x1C02, s12  }
0x99: {  	[hbm:s15], [sflag:s13] =	dma.local [spmem:s14], $0x800  }
0x9a: {  	_ =	swait.ge [sflag:s6], $0x800  }
0x9b: {  	[sflag:s6] =	ssyncset.done $0x0  }
0x9c: {  	s12 =	sor.u32 $0x1C01, s12;
	s15 =	sshrl.u32 s21, $0x3;
	[sflag:s6] =	ssyncadd.s32 $0xFFFFF800  }
0x9d: {  	[hbm:s16], [sflag:s12] =	dma.local [spmem:s15], $0x10  }
0x9e: {  	_ =	swait.ge [sflag:s1], $0x10  }
0x9f: {  	[sflag:s1] =	ssyncset.done $0x0  }
0xa0: {  	s14 =	sshrl.u32 s22, $0x3;
	s15 =	rddreg [dreg:$0xa];
	[sflag:s1] =	ssyncadd.s32 $0xFFFFFFF0  }
0xa1: {  	[hbm:s15], [sflag:s13] =	dma.local [spmem:s14], $0x800  }
0xa2: {  	_ =	swait.ge [sflag:s6], $0x800  }
0xa3: {  	[sflag:s6] =	ssyncset.done $0x0  }
0xa4: {  	s15 =	sshrl.u32 s23, $0x3;
	[sflag:s6] =	ssyncadd.s32 $0xFFFFF800  }
0xa5: {  	[hbm:s17], [sflag:s12] =	dma.local [spmem:s15], $0x10  }
0xa6: {  	_ =	swait.ge [sflag:s1], $0x10  }
0xa7: {  	[sflag:s1] =	ssyncset.done $0x0  }
0xa8: {  	s14 =	sshrl.u32 s24, $0x3;
	s15 =	rddreg [dreg:$0xb];
	[sflag:s1] =	ssyncadd.s32 $0xFFFFFFF0  }
0xa9: {  	[hbm:s15], [sflag:s13] =	dma.local [spmem:s14], $0x800  }
0xaa: {  	_ =	swait.ge [sflag:s6], $0x800  }
0xab: {  	[sflag:s6] =	ssyncset.done $0x0  }
0xac: {  	s15 =	sshrl.u32 s25, $0x3;
	[sflag:s6] =	ssyncadd.s32 $0xFFFFF800  }
0xad: {  	[hbm:s18], [sflag:s12] =	dma.local [spmem:s15], $0x10  }
0xae: {  	_ =	swait.ge [sflag:s1], $0x10  }
0xaf: {  	[sflag:s1] =	ssyncset.done $0x0  }
0xb0: {  	s14 =	sshrl.u32 s26, $0x3;
	s15 =	rddreg [dreg:$0xc];
	[sflag:s1] =	ssyncadd.s32 $0xFFFFFFF0  }
0xb1: {  	[hbm:s15], [sflag:s13] =	dma.local [spmem:s14], $0x800  }
0xb2: {  	_ =	swait.ge [sflag:s6], $0x800  }
0xb3: {  	[sflag:s6] =	ssyncset.done $0x0  }
0xb4: {  	s15 =	sshrl.u32 s28, $0x3;
	[sflag:s6] =	ssyncadd.s32 $0xFFFFF800  }
0xb5: {  	[hbm:s19], [sflag:s12] =	dma.local [spmem:s15], $0x10  }
0xb6: {  	_ =	swait.ge [sflag:s1], $0x10  }
0xb7: {  	[sflag:s1] =	ssyncset.done $0x0  }
0xb8: {  	s14 =	sshrl.u32 @!p0 s29, $0x3;
	s15 =	rddreg [dreg:$0xd];
	[sflag:s1] =	ssyncadd.s32 $0xFFFFFFF0  }
0xb9: {  	[hbm:s15], [sflag:s13] =	dma.local @!p0 [spmem:s14], $0x800  }
0xba: {  	s13 =	simm.s32 @!p0 $0x2  }
0xbb: {  	_ =	swait.ge @!p0 [sflag:s13], $0x800  }
0xbc: {  	[sflag:s13] =	ssyncset.done @!p0 $0x0  }
0xbd: {  	[sflag:s13] =	ssyncadd.s32 @!p0 $0xFFFFF800;
	s13 =	sshrl.u32 @!p0 s30, $0x3  }
0xbe: {  	[hbm:s20], [sflag:s12] =	dma.local @!p0 [spmem:s13], $0x10  }
0xbf: {  	s12 =	simm.s32 @!p0 $0x1  }
0xc0: {  	_ =	swait.ge @!p0 [sflag:s12], $0x10  }
0xc1: {  	s11 =	sadd.s32 $0x1, s11;
	s15 =	rddreg [dreg:$0x8]  }
0xc2: {  	p1 =	sne.s32 s11, s15  }
.Ltmp2:
0xc3: {  	_ = 	snop;
	(pc) =	sbr.rel @p1 .LBB2_1-.Ltmp2, $3  }
0xc4: {  	_ =	sdelay $0x1  }
0xc5: {  	[sflag:s12] =	ssyncset.done @!p0 $0x0  }
0xc6: {  	[sflag:s12] =	ssyncadd.s32 @!p0 $0xFFFFFFF0  }
0xc7: {  	_ =	sfence.sel $0x180000  }
0xc8: {  	[bflag:$0x0] =	sbarrier.arrive $0xFFFF  }
0xc9: {  	_ =	strace $0x90000047  }
0xca: {  	s0 =	stileid.u32;
	[bflag:$0x2] =	sbarrier.arrive $0xFFFF  }
0xcb: {  	p0 =	sne.s32 s0, $0x0;
	s0 =	rddreg [dreg:$0x4]  }
0xcc: {  	s0 =	sadd.s32 @!p0 $0x100000, s0  }
0xcd: {  	[sflag:s0] =	ssyncadd.tile.s32 @!p0 $0x1;
	_ =	shalt  }
.Lfunc_end2:
_tile_overlayer_lowered:
.L_overlay_start_2:
0xce: {  	(tag) =	ssettag $0x2  }
0xcf: {  	s0 =	rddreg [dreg:$0x0];
	s2 =	stileid.u32  }
0xd0: {  	s1 =	rddreg [dreg:$0x1];
	p0 =	sne.s32 s2, $0x0  }
0xd1: {  	s3 =	rddreg [dreg:$0x2];
	[bflag:$0x3] =	sbarrier.arrive $0xFFFF;
	s2 =	simm.s32 @!p0 $0x1C01  }
0xd2: {  	[timem:s3], [sflag:s2] =	dma.local @!p0 [hbm:s0], s1  }
0xd3: {  	s0 =	simm.s32 @!p0 $0x1  }
0xd4: {  	_ =	swait.ge @!p0 [sflag:s0], s1  }
0xd5: {  	s1 =	ssub.s32 @!p0 $0x0, s1;
	[sflag:s0] =	ssyncset.done @!p0 $0x0  }
0xd6: {  	[sflag:s0] =	ssyncadd.s32 @!p0 s1  }
0xd7: {  	[bflag:$0x3] =	sbarrier.arrive $0xFFFF  }
0xd8: {  	_ =	shalt  }

</sc_bundles>
